<compile_context>
chip_gen: v7x
topology: tpu7x:2x2x1
jax: 0.10.2.dev20260603
libtpu: 0.0.44.dev20260713+nightly
codegen_flags: <defaults>
</compile_context>

<pallas_src>
import jax
import jax.numpy as jnp
from jax import lax
from jax.experimental import pallas as pl
from jax.experimental.pallas import tpu as pltpu
from jax.experimental.pallas import tpu_sc as plsc

N = 10000
NPAD = 10240
D = 128
E = 320000
NC, NS, L = 2, 16, 16
NW = NC * NS
CHUNK = 128
NCH = 80
EPT = NCH * CHUNK
EPAD = NW * EPT
RPT = NPAD // NS

_mesh = lambda: plsc.VectorSubcoreMesh(core_axis_name="c", subcore_axis_name="s")


def _deg_body(dst_hbm, deg_out, deg_sh, dv, ones_v, zb):
  cid = lax.axis_index("c")
  sid = lax.axis_index("s")
  for i in range(RPT // L):
    zb[pl.ds(i * L, L)] = jnp.zeros((L,), jnp.float32)
  for i in range(CHUNK // L):
    ones_v[pl.ds(i * L, L)] = jnp.ones((L,), jnp.float32)
  pltpu.sync_copy(zb, deg_sh.at[pl.ds(sid * RPT, RPT)])
  pltpu.sync_copy(dst_hbm.at[cid, sid], dv)
  plsc.subcore_barrier()

  def chunk(j, carry):
    pltpu.sync_copy(ones_v, deg_sh.at[dv.at[j]], add=True)
    return carry

  lax.fori_loop(0, NCH, chunk, 0)
  plsc.subcore_barrier()
  pltpu.sync_copy(deg_sh.at[pl.ds(sid * RPT, RPT)],
                  deg_out.at[cid, pl.ds(sid * RPT, RPT)])


def _deg_call(dst4):
  return pl.kernel(
      _deg_body,
      out_type=jax.ShapeDtypeStruct((NC, NPAD), jnp.float32),
      mesh=_mesh(),
      scratch_types=[
          pltpu.VMEM_SHARED((NPAD,), jnp.float32),
          pltpu.VMEM((NCH, CHUNK), jnp.int32),
          pltpu.VMEM((CHUNK,), jnp.float32),
          pltpu.VMEM((RPT,), jnp.float32),
      ],
  )(dst4)


def _gs_body(src_hbm, dst_hbm, xs_hbm, acc_out, acc_sh,
             si0, si1, si2, si3, di0, di1, di2, di3, r0, r1,
             ss0, ss1, ss2, ss3, ds0, ds1, ds2, ds3, gs0, gs1, ws0, ws1):
  sidx = (si0, si1, si2, si3)
  didx = (di0, di1, di2, di3)
  ssem = (ss0, ss1, ss2, ss3)
  dsem = (ds0, ds1, ds2, ds3)
  rows = (r0, r1)
  gsem = (gs0, gs1)
  wsem = (ws0, ws1)
  cid = lax.axis_index("c")
  sid = lax.axis_index("s")

  def load_idx(q, j):
    pltpu.async_copy(src_hbm.at[cid, sid, pl.ds(j * CHUNK, CHUNK)],
                     sidx[q], ssem[q])
    pltpu.async_copy(dst_hbm.at[cid, sid, pl.ds(j * CHUNK, CHUNK)],
                     didx[q], dsem[q])

  def wait_sidx(q):
    pltpu.make_async_copy(src_hbm.at[cid, sid, pl.ds(0, CHUNK)],
                          sidx[q], ssem[q]).wait()

  def wait_didx(q):
    pltpu.make_async_copy(dst_hbm.at[cid, sid, pl.ds(0, CHUNK)],
                          didx[q], dsem[q]).wait()

  def zrow(i, carry):
    for k in range(D // L):
      r0[i, pl.ds(k * L, L)] = jnp.zeros((L,), jnp.float32)
    return carry

  lax.fori_loop(0, CHUNK, zrow, 0)

  def zcopy(k, carry):
    pltpu.sync_copy(r0, acc_sh.at[pl.ds(sid * RPT + k * CHUNK, CHUNK), :])
    return carry

  lax.fori_loop(0, RPT // CHUNK, zcopy, 0)
  plsc.subcore_barrier()

  def gather(q, b):
    pltpu.async_copy(xs_hbm.at[sidx[q]], rows[b], gsem[b])

  def wait_gather(q, b):
    pltpu.make_async_copy(xs_hbm.at[sidx[q]], rows[b], gsem[b]).wait()

  def scatter(q, b):
    pltpu.async_copy(rows[b], acc_sh.at[didx[q]], wsem[b], add=True)

  def wait_scatter(b):
    pltpu.make_async_copy(rows[b], acc_sh.at[didx[0]], wsem[b]).wait()

  for q in range(3):
    load_idx(q, q)
  wait_sidx(0)
  gather(0, 0)

  def group(g, carry):
    for k in range(4):
      j = 4 * g + k
      b = k % 2
      nq = (k + 1) % 4
      nb = (k + 1) % 2
      if k < 3:
        if k == 0:
          @pl.when(g > 0)
          def _():
            wait_scatter(nb)
        else:
          wait_scatter(nb)
        wait_sidx(nq)
        gather(nq, nb)
      else:
        @pl.when(g < NCH // 4 - 1)
        def _():
          wait_scatter(nb)
          wait_sidx(nq)
          gather(nq, nb)
      wait_gather(k, b)
      wait_didx(k)
      scatter(k, b)
      if k == 0:
        load_idx(3, j + 3)
      else:
        @pl.when(g < NCH // 4 - 1)
        def _():
          load_idx(k - 1, j + 3)
    return carry

  lax.fori_loop(0, NCH // 4, group, 0)
  wait_scatter(0)
  wait_scatter(1)
  plsc.subcore_barrier()
  pltpu.sync_copy(acc_sh.at[pl.ds(sid * RPT, RPT), :],
                  acc_out.at[cid, pl.ds(sid * RPT, RPT), :])


def _gs_call(src3, dst3, xs):
  return pl.kernel(
      _gs_body,
      out_type=jax.ShapeDtypeStruct((NC, NPAD, D), jnp.float32),
      mesh=_mesh(),
      scratch_types=[
          pltpu.VMEM_SHARED((NPAD, D), jnp.float32),
      ] + [pltpu.VMEM((CHUNK,), jnp.int32)] * 8
        + [pltpu.VMEM((CHUNK, D), jnp.float32)] * 2
        + [pltpu.SemaphoreType.DMA] * 12,
  )(src3, dst3, xs)


def _scale_body(deg_ref, x_ref, w_ref, dinv_ref, ys_ref):
  d = 1.0 + deg_ref[0, :] + deg_ref[1, :]
  di = lax.rsqrt(d)
  dinv_ref[0, :] = di
  ys_ref[...] = jnp.dot(x_ref[...] * di[:, None], w_ref[...],
                        preferred_element_type=jnp.float32)


_RB = 512


def _scale_call(deg, x_pad, w):
  grid = NPAD // _RB
  return pl.pallas_call(
      _scale_body,
      grid=(grid,),
      in_specs=[
          pl.BlockSpec((NC, _RB), lambda i: (0, i)),
          pl.BlockSpec((_RB, D), lambda i: (i, 0)),
          pl.BlockSpec((D, D), lambda i: (0, 0)),
      ],
      out_specs=[
          pl.BlockSpec((1, _RB), lambda i: (0, i)),
          pl.BlockSpec((_RB, D), lambda i: (i, 0)),
      ],
      out_shape=[
          jax.ShapeDtypeStruct((1, NPAD), jnp.float32),
          jax.ShapeDtypeStruct((NPAD, D), jnp.float32),
      ],
  )(deg, x_pad, w)


def _out_body(acc_ref, ys, dinv, b_ref, out_ref):
  m = (acc_ref[0] + acc_ref[1] + ys[...]) * dinv[0, :][:, None]
  out_ref[...] = jnp.maximum(m + b_ref[...], 0.0)


def _out_call(acc, ys, dinv, b2):
  grid = NPAD // _RB
  return pl.pallas_call(
      _out_body,
      grid=(grid,),
      in_specs=[
          pl.BlockSpec((NC, _RB, D), lambda i: (0, i, 0)),
          pl.BlockSpec((_RB, D), lambda i: (i, 0)),
          pl.BlockSpec((1, _RB), lambda i: (0, i)),
          pl.BlockSpec((1, D), lambda i: (0, 0)),
      ],
      out_specs=pl.BlockSpec((_RB, D), lambda i: (i, 0)),
      out_shape=jax.ShapeDtypeStruct((N, D), jnp.float32),
  )(acc, ys, dinv, b2)


@jax.jit
def kernel(x, edge_index, W, b):
  dummies = N + (jnp.arange(EPAD - E, dtype=jnp.int32) % (NPAD - N))
  ei = jnp.concatenate(
      [edge_index.astype(jnp.int32),
       jnp.broadcast_to(dummies, (2, EPAD - E))], axis=1)
  src3 = ei[0].reshape(NC, NS, EPT)
  dst3 = ei[1].reshape(NC, NS, EPT)
  dst4 = dst3.reshape(NC, NS, NCH, CHUNK)
  deg = _deg_call(dst4)
  x_pad = jnp.pad(x, ((0, NPAD - N), (0, 0)))
  dinv, ys = _scale_call(deg, x_pad, W)
  acc = _gs_call(src3, dst3, ys)
  return _out_call(acc, ys, dinv, b.reshape(1, D))

# --- scband reference (transcript-rebuilt; emitter-appended) ---
"""Pipeline reference for scband-crd-62062277427822 (READ-ONLY COPY).

The authoritative reference and input builder live on the scoring server;
editing this copy changes nothing except your own understanding.
"""

import jax, jax.numpy as jnp
import numpy as np

N_NODES = 10000
N_EDGES = 320000
D_IN = 128
D_OUT = 128


def setup_inputs(seed: int = 0) -> dict:
    key = jax.random.key(seed)
    k1, k2, k3, k4 = jax.random.split(key, 4)
    x = jax.random.normal(k1, (N_NODES, D_IN), dtype=jnp.float32)
    edge_index = jax.random.randint(k2, (2, N_EDGES), 0, N_NODES, dtype=jnp.int64)
    # GCNConv linear weight (glorot-ish) and bias, stored as [d_in, d_out] for x @ W
    limit = float(np.sqrt(6.0 / (D_IN + D_OUT)))
    W = jax.random.uniform(k3, (D_IN, D_OUT), dtype=jnp.float32, minval=-limit, maxval=limit)
    b = jnp.zeros((D_OUT,), dtype=jnp.float32)
    return {"x": x, "edge_index": edge_index, "W": W, "b": b}


def reference(x, edge_index, W, b):
    # CRD.forward: x = relu(GCNConv(x, edge_index)); dropout is identity in eval mode.
    N = x.shape[0]
    # gcn_norm with add_self_loops=True
    loops = jnp.arange(N, dtype=edge_index.dtype)
    src = jnp.concatenate([edge_index[0], loops])
    dst = jnp.concatenate([edge_index[1], loops])
    ew = jnp.ones(src.shape[0], dtype=x.dtype)
    deg = jax.ops.segment_sum(ew, dst, num_segments=N)
    deg_inv_sqrt = jnp.where(deg > 0, jax.lax.rsqrt(jnp.maximum(deg, 1e-12)), 0.0)
    norm = deg_inv_sqrt[src] * deg_inv_sqrt[dst]
    # linear transform then propagate (sum aggregation at dst)
    h = x @ W
    msgs = h[src] * norm[:, None]
    out = jax.ops.segment_sum(msgs, dst, num_segments=N)
    out = out + b
    return jax.nn.relu(out)

if __name__ == "__main__":
    import jax
    _d = setup_inputs()
    print(jax.jit(kernel)(*tuple(_d.values())))

</pallas_src>

<mosaic_0001>
#map = affine_map<(d0, d1) -> (0, 0, 0, 0)>
#map1 = affine_map<(d0, d1) -> (0, 0)>
module attributes {stable_mosaic.version = 14 : i64} {
  func.func @_deg_body(%arg0: i32, %arg1: i32, %arg2: memref<2x16x80x128xi32, #tpu.memory_space<hbm>>, %arg3: memref<2x10240xf32, #tpu.memory_space<hbm>>, %arg4: memref<10240xf32, #tpu.memory_space<vmem_shared>>, %arg5: memref<80x128xi32, #tpu.memory_space<vmem>>, %arg6: memref<128xf32, #tpu.memory_space<vmem>>, %arg7: memref<640xf32, #tpu.memory_space<vmem>>) attributes {dimension_semantics = [#tpu.dimension_semantics<core_parallel>, #tpu.dimension_semantics<subcore_parallel>], iteration_bounds = array<i64: 2, 16>, scalar_prefetch = 0 : i64, scratch_operands = 4 : i64, tpu.core_type = #tpu.core_type<sc_vector_subcore>, window_params = [{transform_indices = #map}, {transform_indices = #map1}]} {
    %broadcast_in_dim3A = arith.constant 0.000000e+00 : f32
    %broadcast_in_dim3A_0 = vector.broadcast %broadcast_in_dim3A : f32 to vector<16xf32>
    %swap3A = arith.constant 0 : index
    %swap3A_1 = tpu.vector_load %arg7[%swap3A] {strides = array<i32>} : memref<640xf32, #tpu.memory_space<vmem>>, vector<16xf32>,
    %swap3A_2 = vector.shape_cast %swap3A_1 : vector<16xf32> to vector<16xf32>
    %swap3A_3 = vector.shape_cast %broadcast_in_dim3A_0 : vector<16xf32> to vector<16xf32>
    tpu.vector_store %arg7[%swap3A], %swap3A_3 {strides = array<i32>} : memref<640xf32, #tpu.memory_space<vmem>>, vector<16xf32>,
    %broadcast_in_dim3A_4 = arith.constant 0.000000e+00 : f32
    %broadcast_in_dim3A_5 = vector.broadcast %broadcast_in_dim3A_4 : f32 to vector<16xf32>
    %swap3A_6 = arith.constant 16 : index
    %swap3A_7 = tpu.vector_load %arg7[%swap3A_6] {strides = array<i32>} : memref<640xf32, #tpu.memory_space<vmem>>, vector<16xf32>,
    %swap3A_8 = vector.shape_cast %swap3A_7 : vector<16xf32> to vector<16xf32>
    %swap3A_9 = vector.shape_cast %broadcast_in_dim3A_5 : vector<16xf32> to vector<16xf32>
    tpu.vector_store %arg7[%swap3A_6], %swap3A_9 {strides = array<i32>} : memref<640xf32, #tpu.memory_space<vmem>>, vector<16xf32>,
    %broadcast_in_dim3A_10 = arith.constant 0.000000e+00 : f32
    %broadcast_in_dim3A_11 = vector.broadcast %broadcast_in_dim3A_10 : f32 to vector<16xf32>
    %swap3A_12 = arith.constant 32 : index
    %swap3A_13 = tpu.vector_load %arg7[%swap3A_12] {strides = array<i32>} : memref<640xf32, #tpu.memory_space<vmem>>, vector<16xf32>,
    %swap3A_14 = vector.shape_cast %swap3A_13 : vector<16xf32> to vector<16xf32>
    %swap3A_15 = vector.shape_cast %broadcast_in_dim3A_11 : vector<16xf32> to vector<16xf32>
    tpu.vector_store %arg7[%swap3A_12], %swap3A_15 {strides = array<i32>} : memref<640xf32, #tpu.memory_space<vmem>>, vector<16xf32>,
    %broadcast_in_dim3A_16 = arith.constant 0.000000e+00 : f32
    %broadcast_in_dim3A_17 = vector.broadcast %broadcast_in_dim3A_16 : f32 to vector<16xf32>
    %swap3A_18 = arith.constant 48 : index
    %swap3A_19 = tpu.vector_load %arg7[%swap3A_18] {strides = array<i32>} : memref<640xf32, #tpu.memory_space<vmem>>, vector<16xf32>,
    %swap3A_20 = vector.shape_cast %swap3A_19 : vector<16xf32> to vector<16xf32>
    %swap3A_21 = vector.shape_cast %broadcast_in_dim3A_17 : vector<16xf32> to vector<16xf32>
    tpu.vector_store %arg7[%swap3A_18], %swap3A_21 {strides = array<i32>} : memref<640xf32, #tpu.memory_space<vmem>>, vector<16xf32>,
    %broadcast_in_dim3A_22 = arith.constant 0.000000e+00 : f32
    %broadcast_in_dim3A_23 = vector.broadcast %broadcast_in_dim3A_22 : f32 to vector<16xf32>
    %swap3A_24 = arith.constant 64 : index
    %swap3A_25 = tpu.vector_load %arg7[%swap3A_24] {strides = array<i32>} : memref<640xf32, #tpu.memory_space<vmem>>, vector<16xf32>,
    %swap3A_26 = vector.shape_cast %swap3A_25 : vector<16xf32> to vector<16xf32>
    %swap3A_27 = vector.shape_cast %broadcast_in_dim3A_23 : vector<16xf32> to vector<16xf32>
    tpu.vector_store %arg7[%swap3A_24], %swap3A_27 {strides = array<i32>} : memref<640xf32, #tpu.memory_space<vmem>>, vector<16xf32>,
    %broadcast_in_dim3A_28 = arith.constant 0.000000e+00 : f32
    %broadcast_in_dim3A_29 = vector.broadcast %broadcast_in_dim3A_28 : f32 to vector<16xf32>
    %swap3A_30 = arith.constant 80 : index
    %swap3A_31 = tpu.vector_load %arg7[%swap3A_30] {strides = array<i32>} : memref<640xf32, #tpu.memory_space<vmem>>, vector<16xf32>,
    %swap3A_32 = vector.shape_cast %swap3A_31 : vector<16xf32> to vector<16xf32>
    %swap3A_33 = vector.shape_cast %broadcast_in_dim3A_29 : vector<16xf32> to vector<16xf32>
    tpu.vector_store %arg7[%swap3A_30], %swap3A_33 {strides = array<i32>} : memref<640xf32, #tpu.memory_space<vmem>>, vector<16xf32>,
    %broadcast_in_dim3A_34 = arith.constant 0.000000e+00 : f32
    %broadcast_in_dim3A_35 = vector.broadcast %broadcast_in_dim3A_34 : f32 to vector<16xf32>
    %swap3A_36 = arith.constant 96 : index
    %swap3A_37 = tpu.vector_load %arg7[%swap3A_36] {strides = array<i32>} : memref<640xf32, #tpu.memory_space<vmem>>, vector<16xf32>,
    %swap3A_38 = vector.shape_cast %swap3A_37 : vector<16xf32> to vector<16xf32>
    %swap3A_39 = vector.shape_cast %broadcast_in_dim3A_35 : vector<16xf32> to vector<16xf32>
    tpu.vector_store %arg7[%swap3A_36], %swap3A_39 {strides = array<i32>} : memref<640xf32, #tpu.memory_space<vmem>>, vector<16xf32>,
    %broadcast_in_dim3A_40 = arith.constant 0.000000e+00 : f32
    %broadcast_in_dim3A_41 = vector.broadcast %broadcast_in_dim3A_40 : f32 to vector<16xf32>
    %swap3A_42 = arith.constant 112 : index
    %swap3A_43 = tpu.vector_load %arg7[%swap3A_42] {strides = array<i32>} : memref<640xf32, #tpu.memory_space<vmem>>, vector<16xf32>,
    %swap3A_44 = vector.shape_cast %swap3A_43 : vector<16xf32> to vector<16xf32>
    %swap3A_45 = vector.shape_cast %broadcast_in_dim3A_41 : vector<16xf32> to vector<16xf32>
    tpu.vector_store %arg7[%swap3A_42], %swap3A_45 {strides = array<i32>} : memref<640xf32, #tpu.memory_space<vmem>>, vector<16xf32>,
    %broadcast_in_dim3A_46 = arith.constant 0.000000e+00 : f32
    %broadcast_in_dim3A_47 = vector.broadcast %broadcast_in_dim3A_46 : f32 to vector<16xf32>
    %swap3A_48 = arith.constant 128 : index
    %swap3A_49 = tpu.vector_load %arg7[%swap3A_48] {strides = array<i32>} : memref<640xf32, #tpu.memory_space<vmem>>, vector<16xf32>,
    %swap3A_50 = vector.shape_cast %swap3A_49 : vector<16xf32> to vector<16xf32>
    %swap3A_51 = vector.shape_cast %broadcast_in_dim3A_47 : vector<16xf32> to vector<16xf32>
    tpu.vector_store %arg7[%swap3A_48], %swap3A_51 {strides = array<i32>} : memref<640xf32, #tpu.memory_space<vmem>>, vector<16xf32>,
    %broadcast_in_dim3A_52 = arith.constant 0.000000e+00 : f32
    %broadcast_in_dim3A_53 = vector.broadcast %broadcast_in_dim3A_52 : f32 to vector<16xf32>
    %swap3A_54 = arith.constant 144 : index
    %swap3A_55 = tpu.vector_load %arg7[%swap3A_54] {strides = array<i32>} : memref<640xf32, #tpu.memory_space<vmem>>, vector<16xf32>,
    %swap3A_56 = vector.shape_cast %swap3A_55 : vector<16xf32> to vector<16xf32>
    %swap3A_57 = vector.shape_cast %broadcast_in_dim3A_53 : vector<16xf32> to vector<16xf32>
    tpu.vector_store %arg7[%swap3A_54], %swap3A_57 {strides = array<i32>} : memref<640xf32, #tpu.memory_space<vmem>>, vector<16xf32>,
    %broadcast_in_dim3A_58 = arith.constant 0.000000e+00 : f32
    %broadcast_in_dim3A_59 = vector.broadcast %broadcast_in_dim3A_58 : f32 to vector<16xf32>
    %swap3A_60 = arith.constant 160 : index
    %swap3A_61 = tpu.vector_load %arg7[%swap3A_60] {strides = array<i32>} : memref<640xf32, #tpu.memory_space<vmem>>, vector<16xf32>,
    %swap3A_62 = vector.shape_cast %swap3A_61 : vector<16xf32> to vector<16xf32>
    %swap3A_63 = vector.shape_cast %broadcast_in_dim3A_59 : vector<16xf32> to vector<16xf32>
    tpu.vector_store %arg7[%swap3A_60], %swap3A_63 {strides = array<i32>} : memref<640xf32, #tpu.memory_space<vmem>>, vector<16xf32>,
    %broadcast_in_dim3A_64 = arith.constant 0.000000e+00 : f32
    %broadcast_in_dim3A_65 = vector.broadcast %broadcast_in_dim3A_64 : f32 to vector<16xf32>
    %swap3A_66 = arith.constant 176 : index
    %swap3A_67 = tpu.vector_load %arg7[%swap3A_66] {strides = array<i32>} : memref<640xf32, #tpu.memory_space<vmem>>, vector<16xf32>,
    %swap3A_68 = vector.shape_cast %swap3A_67 : vector<16xf32> to vector<16xf32>
    %swap3A_69 = vector.shape_cast %broadcast_in_dim3A_65 : vector<16xf32> to vector<16xf32>
    tpu.vector_store %arg7[%swap3A_66], %swap3A_69 {strides = array<i32>} : memref<640xf32, #tpu.memory_space<vmem>>, vector<16xf32>,
    %broadcast_in_dim3A_70 = arith.constant 0.000000e+00 : f32
    %broadcast_in_dim3A_71 = vector.broadcast %broadcast_in_dim3A_70 : f32 to vector<16xf32>
    %swap3A_72 = arith.constant 192 : index
    %swap3A_73 = tpu.vector_load %arg7[%swap3A_72] {strides = array<i32>} : memref<640xf32, #tpu.memory_space<vmem>>, vector<16xf32>,
    %swap3A_74 = vector.shape_cast %swap3A_73 : vector<16xf32> to vector<16xf32>
    %swap3A_75 = vector.shape_cast %broadcast_in_dim3A_71 : vector<16xf32> to vector<16xf32>
    tpu.vector_store %arg7[%swap3A_72], %swap3A_75 {strides = array<i32>} : memref<640xf32, #tpu.memory_space<vmem>>, vector<16xf32>,
    %broadcast_in_dim3A_76 = arith.constant 0.000000e+00 : f32
    %broadcast_in_dim3A_77 = vector.broadcast %broadcast_in_dim3A_76 : f32 to vector<16xf32>
    %swap3A_78 = arith.constant 208 : index
    %swap3A_79 = tpu.vector_load %arg7[%swap3A_78] {strides = array<i32>} : memref<640xf32, #tpu.memory_space<vmem>>, vector<16xf32>,
    %swap3A_80 = vector.shape_cast %swap3A_79 : vector<16xf32> to vector<16xf32>
    %swap3A_81 = vector.shape_cast %broadcast_in_dim3A_77 : vector<16xf32> to vector<16xf32>
    tpu.vector_store %arg7[%swap3A_78], %swap3A_81 {strides = array<i32>} : memref<640xf32, #tpu.memory_space<vmem>>, vector<16xf32>,
    %broadcast_in_dim3A_82 = arith.constant 0.000000e+00 : f32
    %broadcast_in_dim3A_83 = vector.broadcast %broadcast_in_dim3A_82 : f32 to vector<16xf32>
    %swap3A_84 = arith.constant 224 : index
    %swap3A_85 = tpu.vector_load %arg7[%swap3A_84] {strides = array<i32>} : memref<640xf32, #tpu.memory_space<vmem>>, vector<16xf32>,
    %swap3A_86 = vector.shape_cast %swap3A_85 : vector<16xf32> to vector<16xf32>
    %swap3A_87 = vector.shape_cast %broadcast_in_dim3A_83 : vector<16xf32> to vector<16xf32>
    tpu.vector_store %arg7[%swap3A_84], %swap3A_87 {strides = array<i32>} : memref<640xf32, #tpu.memory_space<vmem>>, vector<16xf32>,
    %broadcast_in_dim3A_88 = arith.constant 0.000000e+00 : f32
    %broadcast_in_dim3A_89 = vector.broadcast %broadcast_in_dim3A_88 : f32 to vector<16xf32>
    %swap3A_90 = arith.constant 240 : index
    %swap3A_91 = tpu.vector_load %arg7[%swap3A_90] {strides = array<i32>} : memref<640xf32, #tpu.memory_space<vmem>>, vector<16xf32>,
    %swap3A_92 = vector.shape_cast %swap3A_91 : vector<16xf32> to vector<16xf32>
    %swap3A_93 = vector.shape_cast %broadcast_in_dim3A_89 : vector<16xf32> to vector<16xf32>
    tpu.vector_store %arg7[%swap3A_90], %swap3A_93 {strides = array<i32>} : memref<640xf32, #tpu.memory_space<vmem>>, vector<16xf32>,
    %broadcast_in_dim3A_94 = arith.constant 0.000000e+00 : f32
    %broadcast_in_dim3A_95 = vector.broadcast %broadcast_in_dim3A_94 : f32 to vector<16xf32>
    %swap3A_96 = arith.constant 256 : index
    %swap3A_97 = tpu.vector_load %arg7[%swap3A_96] {strides = array<i32>} : memref<640xf32, #tpu.memory_space<vmem>>, vector<16xf32>,
    %swap3A_98 = vector.shape_cast %swap3A_97 : vector<16xf32> to vector<16xf32>
    %swap3A_99 = vector.shape_cast %broadcast_in_dim3A_95 : vector<16xf32> to vector<16xf32>
    tpu.vector_store %arg7[%swap3A_96], %swap3A_99 {strides = array<i32>} : memref<640xf32, #tpu.memory_space<vmem>>, vector<16xf32>,
    %broadcast_in_dim3A_100 = arith.constant 0.000000e+00 : f32
    %broadcast_in_dim3A_101 = vector.broadcast %broadcast_in_dim3A_100 : f32 to vector<16xf32>
    %swap3A_102 = arith.constant 272 : index
    %swap3A_103 = tpu.vector_load %arg7[%swap3A_102] {strides = array<i32>} : memref<640xf32, #tpu.memory_space<vmem>>, vector<16xf32>,
    %swap3A_104 = vector.shape_cast %swap3A_103 : vector<16xf32> to vector<16xf32>
    %swap3A_105 = vector.shape_cast %broadcast_in_dim3A_101 : vector<16xf32> to vector<16xf32>
    tpu.vector_store %arg7[%swap3A_102], %swap3A_105 {strides = array<i32>} : memref<640xf32, #tpu.memory_space<vmem>>, vector<16xf32>,
    %broadcast_in_dim3A_106 = arith.constant 0.000000e+00 : f32
    %broadcast_in_dim3A_107 = vector.broadcast %broadcast_in_dim3A_106 : f32 to vector<16xf32>
    %swap3A_108 = arith.constant 288 : index
    %swap3A_109 = tpu.vector_load %arg7[%swap3A_108] {strides = array<i32>} : memref<640xf32, #tpu.memory_space<vmem>>, vector<16xf32>,
    %swap3A_110 = vector.shape_cast %swap3A_109 : vector<16xf32> to vector<16xf32>
    %swap3A_111 = vector.shape_cast %broadcast_in_dim3A_107 : vector<16xf32> to vector<16xf32>
    tpu.vector_store %arg7[%swap3A_108], %swap3A_111 {strides = array<i32>} : memref<640xf32, #tpu.memory_space<vmem>>, vector<16xf32>,
    %broadcast_in_dim3A_112 = arith.constant 0.000000e+00 : f32
    %broadcast_in_dim3A_113 = vector.broadcast %broadcast_in_dim3A_112 : f32 to vector<16xf32>
    %swap3A_114 = arith.constant 304 : index
    %swap3A_115 = tpu.vector_load %arg7[%swap3A_114] {strides = array<i32>} : memref<640xf32, #tpu.memory_space<vmem>>, vector<16xf32>,
    %swap3A_116 = vector.shape_cast %swap3A_115 : vector<16xf32> to vector<16xf32>
    %swap3A_117 = vector.shape_cast %broadcast_in_dim3A_113 : vector<16xf32> to vector<16xf32>
    tpu.vector_store %arg7[%swap3A_114], %swap3A_117 {strides = array<i32>} : memref<640xf32, #tpu.memory_space<vmem>>, vector<16xf32>,
    %broadcast_in_dim3A_118 = arith.constant 0.000000e+00 : f32
    %broadcast_in_dim3A_119 = vector.broadcast %broadcast_in_dim3A_118 : f32 to vector<16xf32>
    %swap3A_120 = arith.constant 320 : index
    %swap3A_121 = tpu.vector_load %arg7[%swap3A_120] {strides = array<i32>} : memref<640xf32, #tpu.memory_space<vmem>>, vector<16xf32>,
    %swap3A_122 = vector.shape_cast %swap3A_121 : vector<16xf32> to vector<16xf32>
    %swap3A_123 = vector.shape_cast %broadcast_in_dim3A_119 : vector<16xf32> to vector<16xf32>
    tpu.vector_store %arg7[%swap3A_120], %swap3A_123 {strides = array<i32>} : memref<640xf32, #tpu.memory_space<vmem>>, vector<16xf32>,
    %broadcast_in_dim3A_124 = arith.constant 0.000000e+00 : f32
    %broadcast_in_dim3A_125 = vector.broadcast %broadcast_in_dim3A_124 : f32 to vector<16xf32>
    %swap3A_126 = arith.constant 336 : index
    %swap3A_127 = tpu.vector_load %arg7[%swap3A_126] {strides = array<i32>} : memref<640xf32, #tpu.memory_space<vmem>>, vector<16xf32>,
    %swap3A_128 = vector.shape_cast %swap3A_127 : vector<16xf32> to vector<16xf32>
    %swap3A_129 = vector.shape_cast %broadcast_in_dim3A_125 : vector<16xf32> to vector<16xf32>
    tpu.vector_store %arg7[%swap3A_126], %swap3A_129 {strides = array<i32>} : memref<640xf32, #tpu.memory_space<vmem>>, vector<16xf32>,
    %broadcast_in_dim3A_130 = arith.constant 0.000000e+00 : f32
    %broadcast_in_dim3A_131 = vector.broadcast %broadcast_in_dim3A_130 : f32 to vector<16xf32>
    %swap3A_132 = arith.constant 352 : index
    %swap3A_133 = tpu.vector_load %arg7[%swap3A_132] {strides = array<i32>} : memref<640xf32, #tpu.memory_space<vmem>>, vector<16xf32>,
    %swap3A_134 = vector.shape_cast %swap3A_133 : vector<16xf32> to vector<16xf32>
    %swap3A_135 = vector.shape_cast %broadcast_in_dim3A_131 : vector<16xf32> to vector<16xf32>
    tpu.vector_store %arg7[%swap3A_132], %swap3A_135 {strides = array<i32>} : memref<640xf32, #tpu.memory_space<vmem>>, vector<16xf32>,
    %broadcast_in_dim3A_136 = arith.constant 0.000000e+00 : f32
    %broadcast_in_dim3A_137 = vector.broadcast %broadcast_in_dim3A_136 : f32 to vector<16xf32>
    %swap3A_138 = arith.constant 368 : index
    %swap3A_139 = tpu.vector_load %arg7[%swap3A_138] {strides = array<i32>} : memref<640xf32, #tpu.memory_space<vmem>>, vector<16xf32>,
    %swap3A_140 = vector.shape_cast %swap3A_139 : vector<16xf32> to vector<16xf32>
    %swap3A_141 = vector.shape_cast %broadcast_in_dim3A_137 : vector<16xf32> to vector<16xf32>
    tpu.vector_store %arg7[%swap3A_138], %swap3A_141 {strides = array<i32>} : memref<640xf32, #tpu.memory_space<vmem>>, vector<16xf32>,
    %broadcast_in_dim3A_142 = arith.constant 0.000000e+00 : f32
    %broadcast_in_dim3A_143 = vector.broadcast %broadcast_in_dim3A_142 : f32 to vector<16xf32>
    %swap3A_144 = arith.constant 384 : index
    %swap3A_145 = tpu.vector_load %arg7[%swap3A_144] {strides = array<i32>} : memref<640xf32, #tpu.memory_space<vmem>>, vector<16xf32>,
    %swap3A_146 = vector.shape_cast %swap3A_145 : vector<16xf32> to vector<16xf32>
    %swap3A_147 = vector.shape_cast %broadcast_in_dim3A_143 : vector<16xf32> to vector<16xf32>
    tpu.vector_store %arg7[%swap3A_144], %swap3A_147 {strides = array<i32>} : memref<640xf32, #tpu.memory_space<vmem>>, vector<16xf32>,
    %broadcast_in_dim3A_148 = arith.constant 0.000000e+00 : f32
    %broadcast_in_dim3A_149 = vector.broadcast %broadcast_in_dim3A_148 : f32 to vector<16xf32>
    %swap3A_150 = arith.constant 400 : index
    %swap3A_151 = tpu.vector_load %arg7[%swap3A_150] {strides = array<i32>} : memref<640xf32, #tpu.memory_space<vmem>>, vector<16xf32>,
    %swap3A_152 = vector.shape_cast %swap3A_151 : vector<16xf32> to vector<16xf32>
    %swap3A_153 = vector.shape_cast %broadcast_in_dim3A_149 : vector<16xf32> to vector<16xf32>
    tpu.vector_store %arg7[%swap3A_150], %swap3A_153 {strides = array<i32>} : memref<640xf32, #tpu.memory_space<vmem>>, vector<16xf32>,
    %broadcast_in_dim3A_154 = arith.constant 0.000000e+00 : f32
    %broadcast_in_dim3A_155 = vector.broadcast %broadcast_in_dim3A_154 : f32 to vector<16xf32>
    %swap3A_156 = arith.constant 416 : index
    %swap3A_157 = tpu.vector_load %arg7[%swap3A_156] {strides = array<i32>} : memref<640xf32, #tpu.memory_space<vmem>>, vector<16xf32>,
    %swap3A_158 = vector.shape_cast %swap3A_157 : vector<16xf32> to vector<16xf32>
    %swap3A_159 = vector.shape_cast %broadcast_in_dim3A_155 : vector<16xf32> to vector<16xf32>
    tpu.vector_store %arg7[%swap3A_156], %swap3A_159 {strides = array<i32>} : memref<640xf32, #tpu.memory_space<vmem>>, vector<16xf32>,
    %broadcast_in_dim3A_160 = arith.constant 0.000000e+00 : f32
    %broadcast_in_dim3A_161 = vector.broadcast %broadcast_in_dim3A_160 : f32 to vector<16xf32>
    %swap3A_162 = arith.constant 432 : index
    %swap3A_163 = tpu.vector_load %arg7[%swap3A_162] {strides = array<i32>} : memref<640xf32, #tpu.memory_space<vmem>>, vector<16xf32>,
    %swap3A_164 = vector.shape_cast %swap3A_163 : vector<16xf32> to vector<16xf32>
    %swap3A_165 = vector.shape_cast %broadcast_in_dim3A_161 : vector<16xf32> to vector<16xf32>
    tpu.vector_store %arg7[%swap3A_162], %swap3A_165 {strides = array<i32>} : memref<640xf32, #tpu.memory_space<vmem>>, vector<16xf32>,
    %broadcast_in_dim3A_166 = arith.constant 0.000000e+00 : f32
    %broadcast_in_dim3A_167 = vector.broadcast %broadcast_in_dim3A_166 : f32 to vector<16xf32>
    %swap3A_168 = arith.constant 448 : index
    %swap3A_169 = tpu.vector_load %arg7[%swap3A_168] {strides = array<i32>} : memref<640xf32, #tpu.memory_space<vmem>>, vector<16xf32>,
    %swap3A_170 = vector.shape_cast %swap3A_169 : vector<16xf32> to vector<16xf32>
    %swap3A_171 = vector.shape_cast %broadcast_in_dim3A_167 : vector<16xf32> to vector<16xf32>
    tpu.vector_store %arg7[%swap3A_168], %swap3A_171 {strides = array<i32>} : memref<640xf32, #tpu.memory_space<vmem>>, vector<16xf32>,
    %broadcast_in_dim3A_172 = arith.constant 0.000000e+00 : f32
    %broadcast_in_dim3A_173 = vector.broadcast %broadcast_in_dim3A_172 : f32 to vector<16xf32>
    %swap3A_174 = arith.constant 464 : index
    %swap3A_175 = tpu.vector_load %arg7[%swap3A_174] {strides = array<i32>} : memref<640xf32, #tpu.memory_space<vmem>>, vector<16xf32>,
    %swap3A_176 = vector.shape_cast %swap3A_175 : vector<16xf32> to vector<16xf32>
    %swap3A_177 = vector.shape_cast %broadcast_in_dim3A_173 : vector<16xf32> to vector<16xf32>
    tpu.vector_store %arg7[%swap3A_174], %swap3A_177 {strides = array<i32>} : memref<640xf32, #tpu.memory_space<vmem>>, vector<16xf32>,
    %broadcast_in_dim3A_178 = arith.constant 0.000000e+00 : f32
    %broadcast_in_dim3A_179 = vector.broadcast %broadcast_in_dim3A_178 : f32 to vector<16xf32>
    %swap3A_180 = arith.constant 480 : index
    %swap3A_181 = tpu.vector_load %arg7[%swap3A_180] {strides = array<i32>} : memref<640xf32, #tpu.memory_space<vmem>>, vector<16xf32>,
    %swap3A_182 = vector.shape_cast %swap3A_181 : vector<16xf32> to vector<16xf32>
    %swap3A_183 = vector.shape_cast %broadcast_in_dim3A_179 : vector<16xf32> to vector<16xf32>
    tpu.vector_store %arg7[%swap3A_180], %swap3A_183 {strides = array<i32>} : memref<640xf32, #tpu.memory_space<vmem>>, vector<16xf32>,
    %broadcast_in_dim3A_184 = arith.constant 0.000000e+00 : f32
    %broadcast_in_dim3A_185 = vector.broadcast %broadcast_in_dim3A_184 : f32 to vector<16xf32>
    %swap3A_186 = arith.constant 496 : index
    %swap3A_187 = tpu.vector_load %arg7[%swap3A_186] {strides = array<i32>} : memref<640xf32, #tpu.memory_space<vmem>>, vector<16xf32>,
    %swap3A_188 = vector.shape_cast %swap3A_187 : vector<16xf32> to vector<16xf32>
    %swap3A_189 = vector.shape_cast %broadcast_in_dim3A_185 : vector<16xf32> to vector<16xf32>
    tpu.vector_store %arg7[%swap3A_186], %swap3A_189 {strides = array<i32>} : memref<640xf32, #tpu.memory_space<vmem>>, vector<16xf32>,
    %broadcast_in_dim3A_190 = arith.constant 0.000000e+00 : f32
    %broadcast_in_dim3A_191 = vector.broadcast %broadcast_in_dim3A_190 : f32 to vector<16xf32>
    %swap3A_192 = arith.constant 512 : index
    %swap3A_193 = tpu.vector_load %arg7[%swap3A_192] {strides = array<i32>} : memref<640xf32, #tpu.memory_space<vmem>>, vector<16xf32>,
    %swap3A_194 = vector.shape_cast %swap3A_193 : vector<16xf32> to vector<16xf32>
    %swap3A_195 = vector.shape_cast %broadcast_in_dim3A_191 : vector<16xf32> to vector<16xf32>
    tpu.vector_store %arg7[%swap3A_192], %swap3A_195 {strides = array<i32>} : memref<640xf32, #tpu.memory_space<vmem>>, vector<16xf32>,
    %broadcast_in_dim3A_196 = arith.constant 0.000000e+00 : f32
    %broadcast_in_dim3A_197 = vector.broadcast %broadcast_in_dim3A_196 : f32 to vector<16xf32>
    %swap3A_198 = arith.constant 528 : index
    %swap3A_199 = tpu.vector_load %arg7[%swap3A_198] {strides = array<i32>} : memref<640xf32, #tpu.memory_space<vmem>>, vector<16xf32>,
    %swap3A_200 = vector.shape_cast %swap3A_199 : vector<16xf32> to vector<16xf32>
    %swap3A_201 = vector.shape_cast %broadcast_in_dim3A_197 : vector<16xf32> to vector<16xf32>
    tpu.vector_store %arg7[%swap3A_198], %swap3A_201 {strides = array<i32>} : memref<640xf32, #tpu.memory_space<vmem>>, vector<16xf32>,
    %broadcast_in_dim3A_202 = arith.constant 0.000000e+00 : f32
    %broadcast_in_dim3A_203 = vector.broadcast %broadcast_in_dim3A_202 : f32 to vector<16xf32>
    %swap3A_204 = arith.constant 544 : index
    %swap3A_205 = tpu.vector_load %arg7[%swap3A_204] {strides = array<i32>} : memref<640xf32, #tpu.memory_space<vmem>>, vector<16xf32>,
    %swap3A_206 = vector.shape_cast %swap3A_205 : vector<16xf32> to vector<16xf32>
    %swap3A_207 = vector.shape_cast %broadcast_in_dim3A_203 : vector<16xf32> to vector<16xf32>
    tpu.vector_store %arg7[%swap3A_204], %swap3A_207 {strides = array<i32>} : memref<640xf32, #tpu.memory_space<vmem>>, vector<16xf32>,
    %broadcast_in_dim3A_208 = arith.constant 0.000000e+00 : f32
    %broadcast_in_dim3A_209 = vector.broadcast %broadcast_in_dim3A_208 : f32 to vector<16xf32>
    %swap3A_210 = arith.constant 560 : index
    %swap3A_211 = tpu.vector_load %arg7[%swap3A_210] {strides = array<i32>} : memref<640xf32, #tpu.memory_space<vmem>>, vector<16xf32>,
    %swap3A_212 = vector.shape_cast %swap3A_211 : vector<16xf32> to vector<16xf32>
    %swap3A_213 = vector.shape_cast %broadcast_in_dim3A_209 : vector<16xf32> to vector<16xf32>
    tpu.vector_store %arg7[%swap3A_210], %swap3A_213 {strides = array<i32>} : memref<640xf32, #tpu.memory_space<vmem>>, vector<16xf32>,
    %broadcast_in_dim3A_214 = arith.constant 0.000000e+00 : f32
    %broadcast_in_dim3A_215 = vector.broadcast %broadcast_in_dim3A_214 : f32 to vector<16xf32>
    %swap3A_216 = arith.constant 576 : index
    %swap3A_217 = tpu.vector_load %arg7[%swap3A_216] {strides = array<i32>} : memref<640xf32, #tpu.memory_space<vmem>>, vector<16xf32>,
    %swap3A_218 = vector.shape_cast %swap3A_217 : vector<16xf32> to vector<16xf32>
    %swap3A_219 = vector.shape_cast %broadcast_in_dim3A_215 : vector<16xf32> to vector<16xf32>
    tpu.vector_store %arg7[%swap3A_216], %swap3A_219 {strides = array<i32>} : memref<640xf32, #tpu.memory_space<vmem>>, vector<16xf32>,
    %broadcast_in_dim3A_220 = arith.constant 0.000000e+00 : f32
    %broadcast_in_dim3A_221 = vector.broadcast %broadcast_in_dim3A_220 : f32 to vector<16xf32>
    %swap3A_222 = arith.constant 592 : index
    %swap3A_223 = tpu.vector_load %arg7[%swap3A_222] {strides = array<i32>} : memref<640xf32, #tpu.memory_space<vmem>>, vector<16xf32>,
    %swap3A_224 = vector.shape_cast %swap3A_223 : vector<16xf32> to vector<16xf32>
    %swap3A_225 = vector.shape_cast %broadcast_in_dim3A_221 : vector<16xf32> to vector<16xf32>
    tpu.vector_store %arg7[%swap3A_222], %swap3A_225 {strides = array<i32>} : memref<640xf32, #tpu.memory_space<vmem>>, vector<16xf32>,
    %broadcast_in_dim3A_226 = arith.constant 0.000000e+00 : f32
    %broadcast_in_dim3A_227 = vector.broadcast %broadcast_in_dim3A_226 : f32 to vector<16xf32>
    %swap3A_228 = arith.constant 608 : index
    %swap3A_229 = tpu.vector_load %arg7[%swap3A_228] {strides = array<i32>} : memref<640xf32, #tpu.memory_space<vmem>>, vector<16xf32>,
    %swap3A_230 = vector.shape_cast %swap3A_229 : vector<16xf32> to vector<16xf32>
    %swap3A_231 = vector.shape_cast %broadcast_in_dim3A_227 : vector<16xf32> to vector<16xf32>
    tpu.vector_store %arg7[%swap3A_228], %swap3A_231 {strides = array<i32>} : memref<640xf32, #tpu.memory_space<vmem>>, vector<16xf32>,
    %broadcast_in_dim3A_232 = arith.constant 0.000000e+00 : f32
    %broadcast_in_dim3A_233 = vector.broadcast %broadcast_in_dim3A_232 : f32 to vector<16xf32>
    %swap3A_234 = arith.constant 624 : index
    %swap3A_235 = tpu.vector_load %arg7[%swap3A_234] {strides = array<i32>} : memref<640xf32, #tpu.memory_space<vmem>>, vector<16xf32>,
    %swap3A_236 = vector.shape_cast %swap3A_235 : vector<16xf32> to vector<16xf32>
    %swap3A_237 = vector.shape_cast %broadcast_in_dim3A_233 : vector<16xf32> to vector<16xf32>
    tpu.vector_store %arg7[%swap3A_234], %swap3A_237 {strides = array<i32>} : memref<640xf32, #tpu.memory_space<vmem>>, vector<16xf32>,
    %broadcast_in_dim3A_238 = arith.constant 1.000000e+00 : f32
    %broadcast_in_dim3A_239 = vector.broadcast %broadcast_in_dim3A_238 : f32 to vector<16xf32>
    %swap3A_240 = arith.constant 0 : index
    %swap3A_241 = tpu.vector_load %arg6[%swap3A_240] {strides = array<i32>} : memref<128xf32, #tpu.memory_space<vmem>>, vector<16xf32>,
    %swap3A_242 = vector.shape_cast %swap3A_241 : vector<16xf32> to vector<16xf32>
    %swap3A_243 = vector.shape_cast %broadcast_in_dim3A_239 : vector<16xf32> to vector<16xf32>
    tpu.vector_store %arg6[%swap3A_240], %swap3A_243 {strides = array<i32>} : memref<128xf32, #tpu.memory_space<vmem>>, vector<16xf32>,
    %broadcast_in_dim3A_244 = arith.constant 1.000000e+00 : f32
    %broadcast_in_dim3A_245 = vector.broadcast %broadcast_in_dim3A_244 : f32 to vector<16xf32>
    %swap3A_246 = arith.constant 16 : index
    %swap3A_247 = tpu.vector_load %arg6[%swap3A_246] {strides = array<i32>} : memref<128xf32, #tpu.memory_space<vmem>>, vector<16xf32>,
    %swap3A_248 = vector.shape_cast %swap3A_247 : vector<16xf32> to vector<16xf32>
    %swap3A_249 = vector.shape_cast %broadcast_in_dim3A_245 : vector<16xf32> to vector<16xf32>
    tpu.vector_store %arg6[%swap3A_246], %swap3A_249 {strides = array<i32>} : memref<128xf32, #tpu.memory_space<vmem>>, vector<16xf32>,
    %broadcast_in_dim3A_250 = arith.constant 1.000000e+00 : f32
    %broadcast_in_dim3A_251 = vector.broadcast %broadcast_in_dim3A_250 : f32 to vector<16xf32>
    %swap3A_252 = arith.constant 32 : index
    %swap3A_253 = tpu.vector_load %arg6[%swap3A_252] {strides = array<i32>} : memref<128xf32, #tpu.memory_space<vmem>>, vector<16xf32>,
    %swap3A_254 = vector.shape_cast %swap3A_253 : vector<16xf32> to vector<16xf32>
    %swap3A_255 = vector.shape_cast %broadcast_in_dim3A_251 : vector<16xf32> to vector<16xf32>
    tpu.vector_store %arg6[%swap3A_252], %swap3A_255 {strides = array<i32>} : memref<128xf32, #tpu.memory_space<vmem>>, vector<16xf32>,
    %broadcast_in_dim3A_256 = arith.constant 1.000000e+00 : f32
    %broadcast_in_dim3A_257 = vector.broadcast %broadcast_in_dim3A_256 : f32 to vector<16xf32>
    %swap3A_258 = arith.constant 48 : index
    %swap3A_259 = tpu.vector_load %arg6[%swap3A_258] {strides = array<i32>} : memref<128xf32, #tpu.memory_space<vmem>>, vector<16xf32>,
    %swap3A_260 = vector.shape_cast %swap3A_259 : vector<16xf32> to vector<16xf32>
    %swap3A_261 = vector.shape_cast %broadcast_in_dim3A_257 : vector<16xf32> to vector<16xf32>
    tpu.vector_store %arg6[%swap3A_258], %swap3A_261 {strides = array<i32>} : memref<128xf32, #tpu.memory_space<vmem>>, vector<16xf32>,
    %broadcast_in_dim3A_262 = arith.constant 1.000000e+00 : f32
    %broadcast_in_dim3A_263 = vector.broadcast %broadcast_in_dim3A_262 : f32 to vector<16xf32>
    %swap3A_264 = arith.constant 64 : index
    %swap3A_265 = tpu.vector_load %arg6[%swap3A_264] {strides = array<i32>} : memref<128xf32, #tpu.memory_space<vmem>>, vector<16xf32>,
    %swap3A_266 = vector.shape_cast %swap3A_265 : vector<16xf32> to vector<16xf32>
    %swap3A_267 = vector.shape_cast %broadcast_in_dim3A_263 : vector<16xf32> to vector<16xf32>
    tpu.vector_store %arg6[%swap3A_264], %swap3A_267 {strides = array<i32>} : memref<128xf32, #tpu.memory_space<vmem>>, vector<16xf32>,
    %broadcast_in_dim3A_268 = arith.constant 1.000000e+00 : f32
    %broadcast_in_dim3A_269 = vector.broadcast %broadcast_in_dim3A_268 : f32 to vector<16xf32>
    %swap3A_270 = arith.constant 80 : index
    %swap3A_271 = tpu.vector_load %arg6[%swap3A_270] {strides = array<i32>} : memref<128xf32, #tpu.memory_space<vmem>>, vector<16xf32>,
    %swap3A_272 = vector.shape_cast %swap3A_271 : vector<16xf32> to vector<16xf32>
    %swap3A_273 = vector.shape_cast %broadcast_in_dim3A_269 : vector<16xf32> to vector<16xf32>
    tpu.vector_store %arg6[%swap3A_270], %swap3A_273 {strides = array<i32>} : memref<128xf32, #tpu.memory_space<vmem>>, vector<16xf32>,
    %broadcast_in_dim3A_274 = arith.constant 1.000000e+00 : f32
    %broadcast_in_dim3A_275 = vector.broadcast %broadcast_in_dim3A_274 : f32 to vector<16xf32>
    %swap3A_276 = arith.constant 96 : index
    %swap3A_277 = tpu.vector_load %arg6[%swap3A_276] {strides = array<i32>} : memref<128xf32, #tpu.memory_space<vmem>>, vector<16xf32>,
    %swap3A_278 = vector.shape_cast %swap3A_277 : vector<16xf32> to vector<16xf32>
    %swap3A_279 = vector.shape_cast %broadcast_in_dim3A_275 : vector<16xf32> to vector<16xf32>
    tpu.vector_store %arg6[%swap3A_276], %swap3A_279 {strides = array<i32>} : memref<128xf32, #tpu.memory_space<vmem>>, vector<16xf32>,
    %broadcast_in_dim3A_280 = arith.constant 1.000000e+00 : f32
    %broadcast_in_dim3A_281 = vector.broadcast %broadcast_in_dim3A_280 : f32 to vector<16xf32>
    %swap3A_282 = arith.constant 112 : index
    %swap3A_283 = tpu.vector_load %arg6[%swap3A_282] {strides = array<i32>} : memref<128xf32, #tpu.memory_space<vmem>>, vector<16xf32>,
    %swap3A_284 = vector.shape_cast %swap3A_283 : vector<16xf32> to vector<16xf32>
    %swap3A_285 = vector.shape_cast %broadcast_in_dim3A_281 : vector<16xf32> to vector<16xf32>
    tpu.vector_store %arg6[%swap3A_282], %swap3A_285 {strides = array<i32>} : memref<128xf32, #tpu.memory_space<vmem>>, vector<16xf32>,
    %mul3A = arith.constant 640 : i32
    %mul3A_286 = arith.muli %arg1, %mul3A : i32
    "tpu.region"() ({
      %run_scoped3A = tpu.sem_alloc : memref<!tpu.dma_semaphore, #tpu.memory_space<semaphore_mem>>
      %dma_start3A = tpu.memref_slice %arg4[%mul3A_286] : memref<10240xf32, #tpu.memory_space<vmem_shared>> -> memref<640xf32, #tpu.memory_space<vmem_shared>>
      %dma_start3A_297 = tpu.memref_slice %arg4[%mul3A_286] : memref<10240xf32, #tpu.memory_space<vmem_shared>> -> memref<640xf32, #tpu.memory_space<vmem_shared>>
      tpu.enqueue_dma source(%arg7 : memref<640xf32, #tpu.memory_space<vmem>>) target(%dma_start3A_297 : memref<640xf32, #tpu.memory_space<vmem_shared>>) target_semaphore(%run_scoped3A : memref<!tpu.dma_semaphore, #tpu.memory_space<semaphore_mem>>)
      %dma_wait3A = tpu.memref_slice %arg4[%mul3A_286] : memref<10240xf32, #tpu.memory_space<vmem_shared>> -> memref<640xf32, #tpu.memory_space<vmem_shared>>
      %dma_wait3A_298 = tpu.memref_slice %arg4[%mul3A_286] : memref<10240xf32, #tpu.memory_space<vmem_shared>> -> memref<640xf32, #tpu.memory_space<vmem_shared>>
      tpu.wait_dma2 semaphore(%run_scoped3A : memref<!tpu.dma_semaphore, #tpu.memory_space<semaphore_mem>>) src(%arg7 : memref<640xf32, #tpu.memory_space<vmem>>) dst(%dma_wait3A_298 : memref<640xf32, #tpu.memory_space<vmem_shared>>)
      tpu.yield
    }) : () -> ()
    "tpu.region"() ({
      %run_scoped3A = tpu.sem_alloc : memref<!tpu.dma_semaphore, #tpu.memory_space<semaphore_mem>>
      %dma_start3A = arith.constant 0 : i32
      %dma_start3A_297 = arith.constant 0 : i32
      %dma_start3A_298 = tpu.memref_slice %arg2[%arg0, %arg1, %dma_start3A, %dma_start3A_297] : memref<2x16x80x128xi32, #tpu.memory_space<hbm>> -> memref<1x1x80x128xi32, #tpu.memory_space<hbm>>
      %dma_start3A_299 = tpu.memref_squeeze %dma_start3A_298 : memref<1x1x80x128xi32, #tpu.memory_space<hbm>> -> memref<80x128xi32, #tpu.memory_space<hbm>>
      %dma_start3A_300 = arith.constant 0 : i32
      %dma_start3A_301 = arith.constant 0 : i32
      %dma_start3A_302 = tpu.memref_slice %arg2[%arg0, %arg1, %dma_start3A_300, %dma_start3A_301] : memref<2x16x80x128xi32, #tpu.memory_space<hbm>> -> memref<1x1x80x128xi32, #tpu.memory_space<hbm>>
      %dma_start3A_303 = tpu.memref_squeeze %dma_start3A_302 : memref<1x1x80x128xi32, #tpu.memory_space<hbm>> -> memref<80x128xi32, #tpu.memory_space<hbm>>
      tpu.enqueue_dma source(%dma_start3A_303 : memref<80x128xi32, #tpu.memory_space<hbm>>) target(%arg5 : memref<80x128xi32, #tpu.memory_space<vmem>>) target_semaphore(%run_scoped3A : memref<!tpu.dma_semaphore, #tpu.memory_space<semaphore_mem>>)
      %dma_wait3A = arith.constant 0 : i32
      %dma_wait3A_304 = arith.constant 0 : i32
      %dma_wait3A_305 = tpu.memref_slice %arg2[%arg0, %arg1, %dma_wait3A, %dma_wait3A_304] : memref<2x16x80x128xi32, #tpu.memory_space<hbm>> -> memref<1x1x80x128xi32, #tpu.memory_space<hbm>>
      %dma_wait3A_306 = tpu.memref_squeeze %dma_wait3A_305 : memref<1x1x80x128xi32, #tpu.memory_space<hbm>> -> memref<80x128xi32, #tpu.memory_space<hbm>>
      %dma_wait3A_307 = arith.constant 0 : i32
      %dma_wait3A_308 = arith.constant 0 : i32
      %dma_wait3A_309 = tpu.memref_slice %arg2[%arg0, %arg1, %dma_wait3A_307, %dma_wait3A_308] : memref<2x16x80x128xi32, #tpu.memory_space<hbm>> -> memref<1x1x80x128xi32, #tpu.memory_space<hbm>>
      %dma_wait3A_310 = tpu.memref_squeeze %dma_wait3A_309 : memref<1x1x80x128xi32, #tpu.memory_space<hbm>> -> memref<80x128xi32, #tpu.memory_space<hbm>>
      tpu.wait_dma2 semaphore(%run_scoped3A : memref<!tpu.dma_semaphore, #tpu.memory_space<semaphore_mem>>) src(%dma_wait3A_310 : memref<80x128xi32, #tpu.memory_space<hbm>>) dst(%arg5 : memref<80x128xi32, #tpu.memory_space<vmem>>)
      tpu.yield
    }) : () -> ()
    %barrier3A = arith.constant 0 : index
    tpu.barrier barrier_id(%barrier3A)
    %scan3A = arith.constant 0 : i32
    %scan3A_287 = arith.constant 0 : i32
    %scan3A_288 = arith.constant 80 : i32
    %scan3A_289 = arith.addi %scan3A_287, %scan3A_288 : i32
    %scan3A_290 = arith.constant 1 : i32
    scf.for %scan3A_297 = %scan3A_287 to %scan3A_289 step %scan3A_290  : i32 {
      "tpu.region"() ({
        %run_scoped3A = tpu.sem_alloc : memref<!tpu.dma_semaphore, #tpu.memory_space<semaphore_mem>>
        %dma_start3A = arith.constant 0 : i32
        %dma_start3A_298 = tpu.memref_slice %arg5[%scan3A_297, %dma_start3A] : memref<80x128xi32, #tpu.memory_space<vmem>> -> memref<1x128xi32, #tpu.memory_space<vmem>>
        %dma_start3A_299 = tpu.memref_squeeze %dma_start3A_298 : memref<1x128xi32, #tpu.memory_space<vmem>> -> memref<128xi32, #tpu.memory_space<vmem>>
        %dma_start3A_300 = arith.constant 0 : i32
        %dma_start3A_301 = tpu.memref_slice %arg4[%dma_start3A_300] : memref<10240xf32, #tpu.memory_space<vmem_shared>> -> memref<10240xf32, #tpu.memory_space<vmem_shared>>
        tpu.enqueue_indirect_dma source(%arg6 : memref<128xf32, #tpu.memory_space<vmem>>) target(%dma_start3A_301 : memref<10240xf32, #tpu.memory_space<vmem_shared>>) offsets(%dma_start3A_299 : memref<128xi32, #tpu.memory_space<vmem>>) semaphore(%run_scoped3A : memref<!tpu.dma_semaphore, #tpu.memory_space<semaphore_mem>>) {add = true}
        %dma_wait3A = arith.constant 0 : i32
        %dma_wait3A_302 = tpu.memref_slice %arg5[%scan3A_297, %dma_wait3A] : memref<80x128xi32, #tpu.memory_space<vmem>> -> memref<1x128xi32, #tpu.memory_space<vmem>>
        %dma_wait3A_303 = tpu.memref_squeeze %dma_wait3A_302 : memref<1x128xi32, #tpu.memory_space<vmem>> -> memref<128xi32, #tpu.memory_space<vmem>>
        %dma_wait3A_304 = arith.constant 0 : i32
        %dma_wait3A_305 = tpu.memref_slice %arg4[%dma_wait3A_304] : memref<10240xf32, #tpu.memory_space<vmem_shared>> -> memref<10240xf32, #tpu.memory_space<vmem_shared>>
        tpu.wait_indirect_dma semaphore(%run_scoped3A : memref<!tpu.dma_semaphore, #tpu.memory_space<semaphore_mem>>) src(%arg6 : memref<128xf32, #tpu.memory_space<vmem>>) dst(%dma_wait3A_305 : memref<10240xf32, #tpu.memory_space<vmem_shared>>)
        tpu.yield
      }) : () -> ()
    }
    %scan3A_291 = arith.constant 80 : i32
    %barrier3A_292 = arith.constant 0 : index
    tpu.barrier barrier_id(%barrier3A_292)
    %mul3A_293 = arith.constant 640 : i32
    %mul3A_294 = arith.muli %arg1, %mul3A_293 : i32
    %mul3A_295 = arith.constant 640 : i32
    %mul3A_296 = arith.muli %arg1, %mul3A_295 : i32
    "tpu.region"() ({
      %run_scoped3A = tpu.sem_alloc : memref<!tpu.dma_semaphore, #tpu.memory_space<semaphore_mem>>
      %dma_start3A = tpu.memref_slice %arg3[%arg0, %mul3A_296] : memref<2x10240xf32, #tpu.memory_space<hbm>> -> memref<1x640xf32, #tpu.memory_space<hbm>>
      %dma_start3A_297 = tpu.memref_squeeze %dma_start3A : memref<1x640xf32, #tpu.memory_space<hbm>> -> memref<640xf32, #tpu.memory_space<hbm>>
      %dma_start3A_298 = tpu.memref_slice %arg4[%mul3A_294] : memref<10240xf32, #tpu.memory_space<vmem_shared>> -> memref<640xf32, #tpu.memory_space<vmem_shared>>
      tpu.enqueue_dma source(%dma_start3A_298 : memref<640xf32, #tpu.memory_space<vmem_shared>>) target(%dma_start3A_297 : memref<640xf32, #tpu.memory_space<hbm>>) target_semaphore(%run_scoped3A : memref<!tpu.dma_semaphore, #tpu.memory_space<semaphore_mem>>)
      %dma_wait3A = tpu.memref_slice %arg3[%arg0, %mul3A_296] : memref<2x10240xf32, #tpu.memory_space<hbm>> -> memref<1x640xf32, #tpu.memory_space<hbm>>
      %dma_wait3A_299 = tpu.memref_squeeze %dma_wait3A : memref<1x640xf32, #tpu.memory_space<hbm>> -> memref<640xf32, #tpu.memory_space<hbm>>
      %dma_wait3A_300 = tpu.memref_slice %arg4[%mul3A_294] : memref<10240xf32, #tpu.memory_space<vmem_shared>> -> memref<640xf32, #tpu.memory_space<vmem_shared>>
      tpu.wait_dma2 semaphore(%run_scoped3A : memref<!tpu.dma_semaphore, #tpu.memory_space<semaphore_mem>>) src(%dma_wait3A_300 : memref<640xf32, #tpu.memory_space<vmem_shared>>) dst(%dma_wait3A_299 : memref<640xf32, #tpu.memory_space<hbm>>)
      tpu.yield
    }) : () -> ()
    return
  }
}

#map = affine_map<(d0, d1) -> (0, 0, 0)>
#map1 = affine_map<(d0, d1) -> (0, 0)>
module attributes {stable_mosaic.version = 14 : i64} {
  func.func @_gs_body(%arg0: i32, %arg1: i32, %arg2: memref<2x16x10240xi32, #tpu.memory_space<hbm>>, %arg3: memref<2x16x10240xi32, #tpu.memory_space<hbm>>, %arg4: memref<10240x128xf32, #tpu.memory_space<hbm>>, %arg5: memref<2x10240x128xf32, #tpu.memory_space<hbm>>, %arg6: memref<10240x128xf32, #tpu.memory_space<vmem_shared>>, %arg7: memref<128xi32, #tpu.memory_space<vmem>>, %arg8: memref<128xi32, #tpu.memory_space<vmem>>, %arg9: memref<128xi32, #tpu.memory_space<vmem>>, %arg10: memref<128xi32, #tpu.memory_space<vmem>>, %arg11: memref<128xi32, #tpu.memory_space<vmem>>, %arg12: memref<128xi32, #tpu.memory_space<vmem>>, %arg13: memref<128xi32, #tpu.memory_space<vmem>>, %arg14: memref<128xi32, #tpu.memory_space<vmem>>, %arg15: memref<128x128xf32, #tpu.memory_space<vmem>>, %arg16: memref<128x128xf32, #tpu.memory_space<vmem>>, %arg17: memref<!tpu.dma_semaphore, #tpu.memory_space<semaphore_mem>>, %arg18: memref<!tpu.dma_semaphore, #tpu.memory_space<semaphore_mem>>, %arg19: memref<!tpu.dma_semaphore, #tpu.memory_space<semaphore_mem>>, %arg20: memref<!tpu.dma_semaphore, #tpu.memory_space<semaphore_mem>>, %arg21: memref<!tpu.dma_semaphore, #tpu.memory_space<semaphore_mem>>, %arg22: memref<!tpu.dma_semaphore, #tpu.memory_space<semaphore_mem>>, %arg23: memref<!tpu.dma_semaphore, #tpu.memory_space<semaphore_mem>>, %arg24: memref<!tpu.dma_semaphore, #tpu.memory_space<semaphore_mem>>, %arg25: memref<!tpu.dma_semaphore, #tpu.memory_space<semaphore_mem>>, %arg26: memref<!tpu.dma_semaphore, #tpu.memory_space<semaphore_mem>>, %arg27: memref<!tpu.dma_semaphore, #tpu.memory_space<semaphore_mem>>, %arg28: memref<!tpu.dma_semaphore, #tpu.memory_space<semaphore_mem>>) attributes {dimension_semantics = [#tpu.dimension_semantics<core_parallel>, #tpu.dimension_semantics<subcore_parallel>], iteration_bounds = array<i64: 2, 16>, scalar_prefetch = 0 : i64, scratch_operands = 23 : i64, tpu.core_type = #tpu.core_type<sc_vector_subcore>, window_params = [{transform_indices = #map}, {transform_indices = #map}, {transform_indices = #map1}, {transform_indices = #map}]} {
    %scan3A = arith.constant 0 : i32
    %scan3A_0 = arith.constant 0 : i32
    %scan3A_1 = arith.constant 128 : i32
    %scan3A_2 = arith.addi %scan3A_0, %scan3A_1 : i32
    %scan3A_3 = arith.constant 1 : i32
    scf.for %scan3A_70 = %scan3A_0 to %scan3A_2 step %scan3A_3  : i32 {
      %broadcast_in_dim3A = arith.constant 0.000000e+00 : f32
      %broadcast_in_dim3A_71 = vector.broadcast %broadcast_in_dim3A : f32 to vector<16xf32>
      %swap3A = arith.index_cast %scan3A_70 : i32 to index
      %swap3A_72 = arith.constant 0 : index
      %swap3A_73 = tpu.vector_load %arg15[%swap3A, %swap3A_72] {strides = array<i32>} : memref<128x128xf32, #tpu.memory_space<vmem>>, vector<1x16xf32>,
      %swap3A_74 = vector.shape_cast %swap3A_73 : vector<1x16xf32> to vector<16xf32>
      %swap3A_75 = vector.shape_cast %broadcast_in_dim3A_71 : vector<16xf32> to vector<1x16xf32>
      tpu.vector_store %arg15[%swap3A, %swap3A_72], %swap3A_75 {strides = array<i32>} : memref<128x128xf32, #tpu.memory_space<vmem>>, vector<1x16xf32>,
      %broadcast_in_dim3A_76 = arith.constant 0.000000e+00 : f32
      %broadcast_in_dim3A_77 = vector.broadcast %broadcast_in_dim3A_76 : f32 to vector<16xf32>
      %swap3A_78 = arith.index_cast %scan3A_70 : i32 to index
      %swap3A_79 = arith.constant 16 : index
      %swap3A_80 = tpu.vector_load %arg15[%swap3A_78, %swap3A_79] {strides = array<i32>} : memref<128x128xf32, #tpu.memory_space<vmem>>, vector<1x16xf32>,
      %swap3A_81 = vector.shape_cast %swap3A_80 : vector<1x16xf32> to vector<16xf32>
      %swap3A_82 = vector.shape_cast %broadcast_in_dim3A_77 : vector<16xf32> to vector<1x16xf32>
      tpu.vector_store %arg15[%swap3A_78, %swap3A_79], %swap3A_82 {strides = array<i32>} : memref<128x128xf32, #tpu.memory_space<vmem>>, vector<1x16xf32>,
      %broadcast_in_dim3A_83 = arith.constant 0.000000e+00 : f32
      %broadcast_in_dim3A_84 = vector.broadcast %broadcast_in_dim3A_83 : f32 to vector<16xf32>
      %swap3A_85 = arith.index_cast %scan3A_70 : i32 to index
      %swap3A_86 = arith.constant 32 : index
      %swap3A_87 = tpu.vector_load %arg15[%swap3A_85, %swap3A_86] {strides = array<i32>} : memref<128x128xf32, #tpu.memory_space<vmem>>, vector<1x16xf32>,
      %swap3A_88 = vector.shape_cast %swap3A_87 : vector<1x16xf32> to vector<16xf32>
      %swap3A_89 = vector.shape_cast %broadcast_in_dim3A_84 : vector<16xf32> to vector<1x16xf32>
      tpu.vector_store %arg15[%swap3A_85, %swap3A_86], %swap3A_89 {strides = array<i32>} : memref<128x128xf32, #tpu.memory_space<vmem>>, vector<1x16xf32>,
      %broadcast_in_dim3A_90 = arith.constant 0.000000e+00 : f32
      %broadcast_in_dim3A_91 = vector.broadcast %broadcast_in_dim3A_90 : f32 to vector<16xf32>
      %swap3A_92 = arith.index_cast %scan3A_70 : i32 to index
      %swap3A_93 = arith.constant 48 : index
      %swap3A_94 = tpu.vector_load %arg15[%swap3A_92, %swap3A_93] {strides = array<i32>} : memref<128x128xf32, #tpu.memory_space<vmem>>, vector<1x16xf32>,
      %swap3A_95 = vector.shape_cast %swap3A_94 : vector<1x16xf32> to vector<16xf32>
      %swap3A_96 = vector.shape_cast %broadcast_in_dim3A_91 : vector<16xf32> to vector<1x16xf32>
      tpu.vector_store %arg15[%swap3A_92, %swap3A_93], %swap3A_96 {strides = array<i32>} : memref<128x128xf32, #tpu.memory_space<vmem>>, vector<1x16xf32>,
      %broadcast_in_dim3A_97 = arith.constant 0.000000e+00 : f32
      %broadcast_in_dim3A_98 = vector.broadcast %broadcast_in_dim3A_97 : f32 to vector<16xf32>
      %swap3A_99 = arith.index_cast %scan3A_70 : i32 to index
      %swap3A_100 = arith.constant 64 : index
      %swap3A_101 = tpu.vector_load %arg15[%swap3A_99, %swap3A_100] {strides = array<i32>} : memref<128x128xf32, #tpu.memory_space<vmem>>, vector<1x16xf32>,
      %swap3A_102 = vector.shape_cast %swap3A_101 : vector<1x16xf32> to vector<16xf32>
      %swap3A_103 = vector.shape_cast %broadcast_in_dim3A_98 : vector<16xf32> to vector<1x16xf32>
      tpu.vector_store %arg15[%swap3A_99, %swap3A_100], %swap3A_103 {strides = array<i32>} : memref<128x128xf32, #tpu.memory_space<vmem>>, vector<1x16xf32>,
      %broadcast_in_dim3A_104 = arith.constant 0.000000e+00 : f32
      %broadcast_in_dim3A_105 = vector.broadcast %broadcast_in_dim3A_104 : f32 to vector<16xf32>
      %swap3A_106 = arith.index_cast %scan3A_70 : i32 to index
      %swap3A_107 = arith.constant 80 : index
      %swap3A_108 = tpu.vector_load %arg15[%swap3A_106, %swap3A_107] {strides = array<i32>} : memref<128x128xf32, #tpu.memory_space<vmem>>, vector<1x16xf32>,
      %swap3A_109 = vector.shape_cast %swap3A_108 : vector<1x16xf32> to vector<16xf32>
      %swap3A_110 = vector.shape_cast %broadcast_in_dim3A_105 : vector<16xf32> to vector<1x16xf32>
      tpu.vector_store %arg15[%swap3A_106, %swap3A_107], %swap3A_110 {strides = array<i32>} : memref<128x128xf32, #tpu.memory_space<vmem>>, vector<1x16xf32>,
      %broadcast_in_dim3A_111 = arith.constant 0.000000e+00 : f32
      %broadcast_in_dim3A_112 = vector.broadcast %broadcast_in_dim3A_111 : f32 to vector<16xf32>
      %swap3A_113 = arith.index_cast %scan3A_70 : i32 to index
      %swap3A_114 = arith.constant 96 : index
      %swap3A_115 = tpu.vector_load %arg15[%swap3A_113, %swap3A_114] {strides = array<i32>} : memref<128x128xf32, #tpu.memory_space<vmem>>, vector<1x16xf32>,
      %swap3A_116 = vector.shape_cast %swap3A_115 : vector<1x16xf32> to vector<16xf32>
      %swap3A_117 = vector.shape_cast %broadcast_in_dim3A_112 : vector<16xf32> to vector<1x16xf32>
      tpu.vector_store %arg15[%swap3A_113, %swap3A_114], %swap3A_117 {strides = array<i32>} : memref<128x128xf32, #tpu.memory_space<vmem>>, vector<1x16xf32>,
      %broadcast_in_dim3A_118 = arith.constant 0.000000e+00 : f32
      %broadcast_in_dim3A_119 = vector.broadcast %broadcast_in_dim3A_118 : f32 to vector<16xf32>
      %swap3A_120 = arith.index_cast %scan3A_70 : i32 to index
      %swap3A_121 = arith.constant 112 : index
      %swap3A_122 = tpu.vector_load %arg15[%swap3A_120, %swap3A_121] {strides = array<i32>} : memref<128x128xf32, #tpu.memory_space<vmem>>, vector<1x16xf32>,
      %swap3A_123 = vector.shape_cast %swap3A_122 : vector<1x16xf32> to vector<16xf32>
      %swap3A_124 = vector.shape_cast %broadcast_in_dim3A_119 : vector<16xf32> to vector<1x16xf32>
      tpu.vector_store %arg15[%swap3A_120, %swap3A_121], %swap3A_124 {strides = array<i32>} : memref<128x128xf32, #tpu.memory_space<vmem>>, vector<1x16xf32>,
    }
    %scan3A_4 = arith.constant 128 : i32
    %scan3A_5 = arith.constant 0 : i32
    %scan3A_6 = arith.constant 0 : i32
    %scan3A_7 = arith.constant 5 : i32
    %scan3A_8 = arith.addi %scan3A_6, %scan3A_7 : i32
    %scan3A_9 = arith.constant 1 : i32
    scf.for %scan3A_70 = %scan3A_6 to %scan3A_8 step %scan3A_9  : i32 {
      %mul3A_71 = arith.constant 640 : i32
      %mul3A_72 = arith.muli %arg1, %mul3A_71 : i32
      %mul3A_73 = arith.constant 128 : i32
      %mul3A_74 = arith.muli %scan3A_70, %mul3A_73 : i32
      %add3A = arith.addi %mul3A_72, %mul3A_74 : i32
      "tpu.region"() ({
        %run_scoped3A = tpu.sem_alloc : memref<!tpu.dma_semaphore, #tpu.memory_space<semaphore_mem>>
        %dma_start3A_75 = arith.constant 0 : i32
        %dma_start3A_76 = tpu.memref_slice %arg6[%add3A, %dma_start3A_75] : memref<10240x128xf32, #tpu.memory_space<vmem_shared>> -> memref<128x128xf32, #tpu.memory_space<vmem_shared>>
        %dma_start3A_77 = arith.constant 0 : i32
        %dma_start3A_78 = tpu.memref_slice %arg6[%add3A, %dma_start3A_77] : memref<10240x128xf32, #tpu.memory_space<vmem_shared>> -> memref<128x128xf32, #tpu.memory_space<vmem_shared>>
        tpu.enqueue_dma source(%arg15 : memref<128x128xf32, #tpu.memory_space<vmem>>) target(%dma_start3A_78 : memref<128x128xf32, #tpu.memory_space<vmem_shared>>) target_semaphore(%run_scoped3A : memref<!tpu.dma_semaphore, #tpu.memory_space<semaphore_mem>>)
        %dma_wait3A_79 = arith.constant 0 : i32
        %dma_wait3A_80 = tpu.memref_slice %arg6[%add3A, %dma_wait3A_79] : memref<10240x128xf32, #tpu.memory_space<vmem_shared>> -> memref<128x128xf32, #tpu.memory_space<vmem_shared>>
        %dma_wait3A_81 = arith.constant 0 : i32
        %dma_wait3A_82 = tpu.memref_slice %arg6[%add3A, %dma_wait3A_81] : memref<10240x128xf32, #tpu.memory_space<vmem_shared>> -> memref<128x128xf32, #tpu.memory_space<vmem_shared>>
        tpu.wait_dma2 semaphore(%run_scoped3A : memref<!tpu.dma_semaphore, #tpu.memory_space<semaphore_mem>>) src(%arg15 : memref<128x128xf32, #tpu.memory_space<vmem>>) dst(%dma_wait3A_82 : memref<128x128xf32, #tpu.memory_space<vmem_shared>>)
        tpu.yield
      }) : () -> ()
    }
    %scan3A_10 = arith.constant 5 : i32
    %barrier3A = arith.constant 0 : index
    tpu.barrier barrier_id(%barrier3A)
    %dma_start3A = arith.constant 0 : i32
    %dma_start3A_11 = tpu.memref_slice %arg2[%arg0, %arg1, %dma_start3A] : memref<2x16x10240xi32, #tpu.memory_space<hbm>> -> memref<1x1x128xi32, #tpu.memory_space<hbm>>
    %dma_start3A_12 = tpu.memref_squeeze %dma_start3A_11 : memref<1x1x128xi32, #tpu.memory_space<hbm>> -> memref<128xi32, #tpu.memory_space<hbm>>
    %dma_start3A_13 = arith.constant 0 : i32
    %dma_start3A_14 = tpu.memref_slice %arg2[%arg0, %arg1, %dma_start3A_13] : memref<2x16x10240xi32, #tpu.memory_space<hbm>> -> memref<1x1x128xi32, #tpu.memory_space<hbm>>
    %dma_start3A_15 = tpu.memref_squeeze %dma_start3A_14 : memref<1x1x128xi32, #tpu.memory_space<hbm>> -> memref<128xi32, #tpu.memory_space<hbm>>
    tpu.enqueue_dma source(%dma_start3A_15 : memref<128xi32, #tpu.memory_space<hbm>>) target(%arg7 : memref<128xi32, #tpu.memory_space<vmem>>) target_semaphore(%arg17 : memref<!tpu.dma_semaphore, #tpu.memory_space<semaphore_mem>>)
    %dma_start3A_16 = arith.constant 0 : i32
    %dma_start3A_17 = tpu.memref_slice %arg3[%arg0, %arg1, %dma_start3A_16] : memref<2x16x10240xi32, #tpu.memory_space<hbm>> -> memref<1x1x128xi32, #tpu.memory_space<hbm>>
    %dma_start3A_18 = tpu.memref_squeeze %dma_start3A_17 : memref<1x1x128xi32, #tpu.memory_space<hbm>> -> memref<128xi32, #tpu.memory_space<hbm>>
    %dma_start3A_19 = arith.constant 0 : i32
    %dma_start3A_20 = tpu.memref_slice %arg3[%arg0, %arg1, %dma_start3A_19] : memref<2x16x10240xi32, #tpu.memory_space<hbm>> -> memref<1x1x128xi32, #tpu.memory_space<hbm>>
    %dma_start3A_21 = tpu.memref_squeeze %dma_start3A_20 : memref<1x1x128xi32, #tpu.memory_space<hbm>> -> memref<128xi32, #tpu.memory_space<hbm>>
    tpu.enqueue_dma source(%dma_start3A_21 : memref<128xi32, #tpu.memory_space<hbm>>) target(%arg11 : memref<128xi32, #tpu.memory_space<vmem>>) target_semaphore(%arg21 : memref<!tpu.dma_semaphore, #tpu.memory_space<semaphore_mem>>)
    %dma_start3A_22 = arith.constant 128 : i32
    %dma_start3A_23 = tpu.memref_slice %arg2[%arg0, %arg1, %dma_start3A_22] : memref<2x16x10240xi32, #tpu.memory_space<hbm>> -> memref<1x1x128xi32, #tpu.memory_space<hbm>>
    %dma_start3A_24 = tpu.memref_squeeze %dma_start3A_23 : memref<1x1x128xi32, #tpu.memory_space<hbm>> -> memref<128xi32, #tpu.memory_space<hbm>>
    %dma_start3A_25 = arith.constant 128 : i32
    %dma_start3A_26 = tpu.memref_slice %arg2[%arg0, %arg1, %dma_start3A_25] : memref<2x16x10240xi32, #tpu.memory_space<hbm>> -> memref<1x1x128xi32, #tpu.memory_space<hbm>>
    %dma_start3A_27 = tpu.memref_squeeze %dma_start3A_26 : memref<1x1x128xi32, #tpu.memory_space<hbm>> -> memref<128xi32, #tpu.memory_space<hbm>>
    tpu.enqueue_dma source(%dma_start3A_27 : memref<128xi32, #tpu.memory_space<hbm>>) target(%arg8 : memref<128xi32, #tpu.memory_space<vmem>>) target_semaphore(%arg18 : memref<!tpu.dma_semaphore, #tpu.memory_space<semaphore_mem>>)
    %dma_start3A_28 = arith.constant 128 : i32
    %dma_start3A_29 = tpu.memref_slice %arg3[%arg0, %arg1, %dma_start3A_28] : memref<2x16x10240xi32, #tpu.memory_space<hbm>> -> memref<1x1x128xi32, #tpu.memory_space<hbm>>
    %dma_start3A_30 = tpu.memref_squeeze %dma_start3A_29 : memref<1x1x128xi32, #tpu.memory_space<hbm>> -> memref<128xi32, #tpu.memory_space<hbm>>
    %dma_start3A_31 = arith.constant 128 : i32
    %dma_start3A_32 = tpu.memref_slice %arg3[%arg0, %arg1, %dma_start3A_31] : memref<2x16x10240xi32, #tpu.memory_space<hbm>> -> memref<1x1x128xi32, #tpu.memory_space<hbm>>
    %dma_start3A_33 = tpu.memref_squeeze %dma_start3A_32 : memref<1x1x128xi32, #tpu.memory_space<hbm>> -> memref<128xi32, #tpu.memory_space<hbm>>
    tpu.enqueue_dma source(%dma_start3A_33 : memref<128xi32, #tpu.memory_space<hbm>>) target(%arg12 : memref<128xi32, #tpu.memory_space<vmem>>) target_semaphore(%arg22 : memref<!tpu.dma_semaphore, #tpu.memory_space<semaphore_mem>>)
    %dma_start3A_34 = arith.constant 256 : i32
    %dma_start3A_35 = tpu.memref_slice %arg2[%arg0, %arg1, %dma_start3A_34] : memref<2x16x10240xi32, #tpu.memory_space<hbm>> -> memref<1x1x128xi32, #tpu.memory_space<hbm>>
    %dma_start3A_36 = tpu.memref_squeeze %dma_start3A_35 : memref<1x1x128xi32, #tpu.memory_space<hbm>> -> memref<128xi32, #tpu.memory_space<hbm>>
    %dma_start3A_37 = arith.constant 256 : i32
    %dma_start3A_38 = tpu.memref_slice %arg2[%arg0, %arg1, %dma_start3A_37] : memref<2x16x10240xi32, #tpu.memory_space<hbm>> -> memref<1x1x128xi32, #tpu.memory_space<hbm>>
    %dma_start3A_39 = tpu.memref_squeeze %dma_start3A_38 : memref<1x1x128xi32, #tpu.memory_space<hbm>> -> memref<128xi32, #tpu.memory_space<hbm>>
    tpu.enqueue_dma source(%dma_start3A_39 : memref<128xi32, #tpu.memory_space<hbm>>) target(%arg9 : memref<128xi32, #tpu.memory_space<vmem>>) target_semaphore(%arg19 : memref<!tpu.dma_semaphore, #tpu.memory_space<semaphore_mem>>)
    %dma_start3A_40 = arith.constant 256 : i32
    %dma_start3A_41 = tpu.memref_slice %arg3[%arg0, %arg1, %dma_start3A_40] : memref<2x16x10240xi32, #tpu.memory_space<hbm>> -> memref<1x1x128xi32, #tpu.memory_space<hbm>>
    %dma_start3A_42 = tpu.memref_squeeze %dma_start3A_41 : memref<1x1x128xi32, #tpu.memory_space<hbm>> -> memref<128xi32, #tpu.memory_space<hbm>>
    %dma_start3A_43 = arith.constant 256 : i32
    %dma_start3A_44 = tpu.memref_slice %arg3[%arg0, %arg1, %dma_start3A_43] : memref<2x16x10240xi32, #tpu.memory_space<hbm>> -> memref<1x1x128xi32, #tpu.memory_space<hbm>>
    %dma_start3A_45 = tpu.memref_squeeze %dma_start3A_44 : memref<1x1x128xi32, #tpu.memory_space<hbm>> -> memref<128xi32, #tpu.memory_space<hbm>>
    tpu.enqueue_dma source(%dma_start3A_45 : memref<128xi32, #tpu.memory_space<hbm>>) target(%arg13 : memref<128xi32, #tpu.memory_space<vmem>>) target_semaphore(%arg23 : memref<!tpu.dma_semaphore, #tpu.memory_space<semaphore_mem>>)
    %dma_wait3A = arith.constant 0 : i32
    %dma_wait3A_46 = tpu.memref_slice %arg2[%arg0, %arg1, %dma_wait3A] : memref<2x16x10240xi32, #tpu.memory_space<hbm>> -> memref<1x1x128xi32, #tpu.memory_space<hbm>>
    %dma_wait3A_47 = tpu.memref_squeeze %dma_wait3A_46 : memref<1x1x128xi32, #tpu.memory_space<hbm>> -> memref<128xi32, #tpu.memory_space<hbm>>
    %dma_wait3A_48 = arith.constant 0 : i32
    %dma_wait3A_49 = tpu.memref_slice %arg2[%arg0, %arg1, %dma_wait3A_48] : memref<2x16x10240xi32, #tpu.memory_space<hbm>> -> memref<1x1x128xi32, #tpu.memory_space<hbm>>
    %dma_wait3A_50 = tpu.memref_squeeze %dma_wait3A_49 : memref<1x1x128xi32, #tpu.memory_space<hbm>> -> memref<128xi32, #tpu.memory_space<hbm>>
    tpu.wait_dma2 semaphore(%arg17 : memref<!tpu.dma_semaphore, #tpu.memory_space<semaphore_mem>>) src(%dma_wait3A_50 : memref<128xi32, #tpu.memory_space<hbm>>) dst(%arg7 : memref<128xi32, #tpu.memory_space<vmem>>)
    %dma_start3A_51 = arith.constant 0 : i32
    %dma_start3A_52 = arith.constant 0 : i32
    %dma_start3A_53 = tpu.memref_slice %arg4[%dma_start3A_51, %dma_start3A_52] : memref<10240x128xf32, #tpu.memory_space<hbm>> -> memref<10240x128xf32, #tpu.memory_space<hbm>>
    tpu.enqueue_indirect_dma source(%dma_start3A_53 : memref<10240x128xf32, #tpu.memory_space<hbm>>) target(%arg15 : memref<128x128xf32, #tpu.memory_space<vmem>>) offsets(%arg7 : memref<128xi32, #tpu.memory_space<vmem>>) semaphore(%arg25 : memref<!tpu.dma_semaphore, #tpu.memory_space<semaphore_mem>>)
    %scan3A_54 = arith.constant 0 : i32
    %scan3A_55 = arith.constant 0 : i32
    %scan3A_56 = arith.constant 20 : i32
    %scan3A_57 = arith.addi %scan3A_55, %scan3A_56 : i32
    %scan3A_58 = arith.constant 1 : i32
    scf.for %scan3A_70 = %scan3A_55 to %scan3A_57 step %scan3A_58  : i32 {
      %mul3A_71 = arith.constant 4 : i32
      %mul3A_72 = arith.muli %mul3A_71, %scan3A_70 : i32
      %add3A = arith.constant 0 : i32
      %add3A_73 = arith.addi %mul3A_72, %add3A : i32
      %gt3A = arith.constant 0 : i32
      %gt3A_74 = arith.cmpi sgt, %scan3A_70, %gt3A : i32
      %convert_element_type3A = arith.extui %gt3A_74 : i1 to i32
      %cond3A = arith.constant 0 : i32
      %cond3A_75 = arith.cmpi ne, %convert_element_type3A, %cond3A : i32
      scf.if %cond3A_75 {
        %dma_wait3A_202 = arith.constant 0 : i32
        %dma_wait3A_203 = arith.constant 0 : i32
        %dma_wait3A_204 = tpu.memref_slice %arg6[%dma_wait3A_202, %dma_wait3A_203] : memref<10240x128xf32, #tpu.memory_space<vmem_shared>> -> memref<10240x128xf32, #tpu.memory_space<vmem_shared>>
        tpu.wait_indirect_dma semaphore(%arg28 : memref<!tpu.dma_semaphore, #tpu.memory_space<semaphore_mem>>) src(%arg16 : memref<128x128xf32, #tpu.memory_space<vmem>>) dst(%dma_wait3A_204 : memref<10240x128xf32, #tpu.memory_space<vmem_shared>>)
      } else {
      }
      %dma_wait3A_76 = arith.constant 0 : i32
      %dma_wait3A_77 = tpu.memref_slice %arg2[%arg0, %arg1, %dma_wait3A_76] : memref<2x16x10240xi32, #tpu.memory_space<hbm>> -> memref<1x1x128xi32, #tpu.memory_space<hbm>>
      %dma_wait3A_78 = tpu.memref_squeeze %dma_wait3A_77 : memref<1x1x128xi32, #tpu.memory_space<hbm>> -> memref<128xi32, #tpu.memory_space<hbm>>
      %dma_wait3A_79 = arith.constant 0 : i32
      %dma_wait3A_80 = tpu.memref_slice %arg2[%arg0, %arg1, %dma_wait3A_79] : memref<2x16x10240xi32, #tpu.memory_space<hbm>> -> memref<1x1x128xi32, #tpu.memory_space<hbm>>
      %dma_wait3A_81 = tpu.memref_squeeze %dma_wait3A_80 : memref<1x1x128xi32, #tpu.memory_space<hbm>> -> memref<128xi32, #tpu.memory_space<hbm>>
      tpu.wait_dma2 semaphore(%arg18 : memref<!tpu.dma_semaphore, #tpu.memory_space<semaphore_mem>>) src(%dma_wait3A_81 : memref<128xi32, #tpu.memory_space<hbm>>) dst(%arg8 : memref<128xi32, #tpu.memory_space<vmem>>)
      %dma_start3A_82 = arith.constant 0 : i32
      %dma_start3A_83 = arith.constant 0 : i32
      %dma_start3A_84 = tpu.memref_slice %arg4[%dma_start3A_82, %dma_start3A_83] : memref<10240x128xf32, #tpu.memory_space<hbm>> -> memref<10240x128xf32, #tpu.memory_space<hbm>>
      tpu.enqueue_indirect_dma source(%dma_start3A_84 : memref<10240x128xf32, #tpu.memory_space<hbm>>) target(%arg16 : memref<128x128xf32, #tpu.memory_space<vmem>>) offsets(%arg8 : memref<128xi32, #tpu.memory_space<vmem>>) semaphore(%arg26 : memref<!tpu.dma_semaphore, #tpu.memory_space<semaphore_mem>>)
      %dma_wait3A_85 = arith.constant 0 : i32
      %dma_wait3A_86 = arith.constant 0 : i32
      %dma_wait3A_87 = tpu.memref_slice %arg4[%dma_wait3A_85, %dma_wait3A_86] : memref<10240x128xf32, #tpu.memory_space<hbm>> -> memref<10240x128xf32, #tpu.memory_space<hbm>>
      tpu.wait_indirect_dma semaphore(%arg25 : memref<!tpu.dma_semaphore, #tpu.memory_space<semaphore_mem>>) src(%dma_wait3A_87 : memref<10240x128xf32, #tpu.memory_space<hbm>>) dst(%arg15 : memref<128x128xf32, #tpu.memory_space<vmem>>)
      %dma_wait3A_88 = arith.constant 0 : i32
      %dma_wait3A_89 = tpu.memref_slice %arg3[%arg0, %arg1, %dma_wait3A_88] : memref<2x16x10240xi32, #tpu.memory_space<hbm>> -> memref<1x1x128xi32, #tpu.memory_space<hbm>>
      %dma_wait3A_90 = tpu.memref_squeeze %dma_wait3A_89 : memref<1x1x128xi32, #tpu.memory_space<hbm>> -> memref<128xi32, #tpu.memory_space<hbm>>
      %dma_wait3A_91 = arith.constant 0 : i32
      %dma_wait3A_92 = tpu.memref_slice %arg3[%arg0, %arg1, %dma_wait3A_91] : memref<2x16x10240xi32, #tpu.memory_space<hbm>> -> memref<1x1x128xi32, #tpu.memory_space<hbm>>
      %dma_wait3A_93 = tpu.memref_squeeze %dma_wait3A_92 : memref<1x1x128xi32, #tpu.memory_space<hbm>> -> memref<128xi32, #tpu.memory_space<hbm>>
      tpu.wait_dma2 semaphore(%arg21 : memref<!tpu.dma_semaphore, #tpu.memory_space<semaphore_mem>>) src(%dma_wait3A_93 : memref<128xi32, #tpu.memory_space<hbm>>) dst(%arg11 : memref<128xi32, #tpu.memory_space<vmem>>)
      %dma_start3A_94 = arith.constant 0 : i32
      %dma_start3A_95 = arith.constant 0 : i32
      %dma_start3A_96 = tpu.memref_slice %arg6[%dma_start3A_94, %dma_start3A_95] : memref<10240x128xf32, #tpu.memory_space<vmem_shared>> -> memref<10240x128xf32, #tpu.memory_space<vmem_shared>>
      tpu.enqueue_indirect_dma source(%arg15 : memref<128x128xf32, #tpu.memory_space<vmem>>) target(%dma_start3A_96 : memref<10240x128xf32, #tpu.memory_space<vmem_shared>>) offsets(%arg11 : memref<128xi32, #tpu.memory_space<vmem>>) semaphore(%arg27 : memref<!tpu.dma_semaphore, #tpu.memory_space<semaphore_mem>>) {add = true}
      %add3A_97 = arith.constant 3 : i32
      %add3A_98 = arith.addi %add3A_73, %add3A_97 : i32
      %mul3A_99 = arith.constant 128 : i32
      %mul3A_100 = arith.muli %add3A_98, %mul3A_99 : i32
      %dma_start3A_101 = tpu.memref_slice %arg2[%arg0, %arg1, %mul3A_100] : memref<2x16x10240xi32, #tpu.memory_space<hbm>> -> memref<1x1x128xi32, #tpu.memory_space<hbm>>
      %dma_start3A_102 = tpu.memref_squeeze %dma_start3A_101 : memref<1x1x128xi32, #tpu.memory_space<hbm>> -> memref<128xi32, #tpu.memory_space<hbm>>
      %dma_start3A_103 = tpu.memref_slice %arg2[%arg0, %arg1, %mul3A_100] : memref<2x16x10240xi32, #tpu.memory_space<hbm>> -> memref<1x1x128xi32, #tpu.memory_space<hbm>>
      %dma_start3A_104 = tpu.memref_squeeze %dma_start3A_103 : memref<1x1x128xi32, #tpu.memory_space<hbm>> -> memref<128xi32, #tpu.memory_space<hbm>>
      tpu.enqueue_dma source(%dma_start3A_104 : memref<128xi32, #tpu.memory_space<hbm>>) target(%arg10 : memref<128xi32, #tpu.memory_space<vmem>>) target_semaphore(%arg20 : memref<!tpu.dma_semaphore, #tpu.memory_space<semaphore_mem>>)
      %mul3A_105 = arith.constant 128 : i32
      %mul3A_106 = arith.muli %add3A_98, %mul3A_105 : i32
      %dma_start3A_107 = tpu.memref_slice %arg3[%arg0, %arg1, %mul3A_106] : memref<2x16x10240xi32, #tpu.memory_space<hbm>> -> memref<1x1x128xi32, #tpu.memory_space<hbm>>
      %dma_start3A_108 = tpu.memref_squeeze %dma_start3A_107 : memref<1x1x128xi32, #tpu.memory_space<hbm>> -> memref<128xi32, #tpu.memory_space<hbm>>
      %dma_start3A_109 = tpu.memref_slice %arg3[%arg0, %arg1, %mul3A_106] : memref<2x16x10240xi32, #tpu.memory_space<hbm>> -> memref<1x1x128xi32, #tpu.memory_space<hbm>>
      %dma_start3A_110 = tpu.memref_squeeze %dma_start3A_109 : memref<1x1x128xi32, #tpu.memory_space<hbm>> -> memref<128xi32, #tpu.memory_space<hbm>>
      tpu.enqueue_dma source(%dma_start3A_110 : memref<128xi32, #tpu.memory_space<hbm>>) target(%arg14 : memref<128xi32, #tpu.memory_space<vmem>>) target_semaphore(%arg24 : memref<!tpu.dma_semaphore, #tpu.memory_space<semaphore_mem>>)
      %mul3A_111 = arith.constant 4 : i32
      %mul3A_112 = arith.muli %mul3A_111, %scan3A_70 : i32
      %add3A_113 = arith.constant 1 : i32
      %add3A_114 = arith.addi %mul3A_112, %add3A_113 : i32
      %dma_wait3A_115 = arith.constant 0 : i32
      %dma_wait3A_116 = arith.constant 0 : i32
      %dma_wait3A_117 = tpu.memref_slice %arg6[%dma_wait3A_115, %dma_wait3A_116] : memref<10240x128xf32, #tpu.memory_space<vmem_shared>> -> memref<10240x128xf32, #tpu.memory_space<vmem_shared>>
      tpu.wait_indirect_dma semaphore(%arg27 : memref<!tpu.dma_semaphore, #tpu.memory_space<semaphore_mem>>) src(%arg15 : memref<128x128xf32, #tpu.memory_space<vmem>>) dst(%dma_wait3A_117 : memref<10240x128xf32, #tpu.memory_space<vmem_shared>>)
      %dma_wait3A_118 = arith.constant 0 : i32
      %dma_wait3A_119 = tpu.memref_slice %arg2[%arg0, %arg1, %dma_wait3A_118] : memref<2x16x10240xi32, #tpu.memory_space<hbm>> -> memref<1x1x128xi32, #tpu.memory_space<hbm>>
      %dma_wait3A_120 = tpu.memref_squeeze %dma_wait3A_119 : memref<1x1x128xi32, #tpu.memory_space<hbm>> -> memref<128xi32, #tpu.memory_space<hbm>>
      %dma_wait3A_121 = arith.constant 0 : i32
      %dma_wait3A_122 = tpu.memref_slice %arg2[%arg0, %arg1, %dma_wait3A_121] : memref<2x16x10240xi32, #tpu.memory_space<hbm>> -> memref<1x1x128xi32, #tpu.memory_space<hbm>>
      %dma_wait3A_123 = tpu.memref_squeeze %dma_wait3A_122 : memref<1x1x128xi32, #tpu.memory_space<hbm>> -> memref<128xi32, #tpu.memory_space<hbm>>
      tpu.wait_dma2 semaphore(%arg19 : memref<!tpu.dma_semaphore, #tpu.memory_space<semaphore_mem>>) src(%dma_wait3A_123 : memref<128xi32, #tpu.memory_space<hbm>>) dst(%arg9 : memref<128xi32, #tpu.memory_space<vmem>>)
      %dma_start3A_124 = arith.constant 0 : i32
      %dma_start3A_125 = arith.constant 0 : i32
      %dma_start3A_126 = tpu.memref_slice %arg4[%dma_start3A_124, %dma_start3A_125] : memref<10240x128xf32, #tpu.memory_space<hbm>> -> memref<10240x128xf32, #tpu.memory_space<hbm>>
      tpu.enqueue_indirect_dma source(%dma_start3A_126 : memref<10240x128xf32, #tpu.memory_space<hbm>>) target(%arg15 : memref<128x128xf32, #tpu.memory_space<vmem>>) offsets(%arg9 : memref<128xi32, #tpu.memory_space<vmem>>) semaphore(%arg25 : memref<!tpu.dma_semaphore, #tpu.memory_space<semaphore_mem>>)
      %dma_wait3A_127 = arith.constant 0 : i32
      %dma_wait3A_128 = arith.constant 0 : i32
      %dma_wait3A_129 = tpu.memref_slice %arg4[%dma_wait3A_127, %dma_wait3A_128] : memref<10240x128xf32, #tpu.memory_space<hbm>> -> memref<10240x128xf32, #tpu.memory_space<hbm>>
      tpu.wait_indirect_dma semaphore(%arg26 : memref<!tpu.dma_semaphore, #tpu.memory_space<semaphore_mem>>) src(%dma_wait3A_129 : memref<10240x128xf32, #tpu.memory_space<hbm>>) dst(%arg16 : memref<128x128xf32, #tpu.memory_space<vmem>>)
      %dma_wait3A_130 = arith.constant 0 : i32
      %dma_wait3A_131 = tpu.memref_slice %arg3[%arg0, %arg1, %dma_wait3A_130] : memref<2x16x10240xi32, #tpu.memory_space<hbm>> -> memref<1x1x128xi32, #tpu.memory_space<hbm>>
      %dma_wait3A_132 = tpu.memref_squeeze %dma_wait3A_131 : memref<1x1x128xi32, #tpu.memory_space<hbm>> -> memref<128xi32, #tpu.memory_space<hbm>>
      %dma_wait3A_133 = arith.constant 0 : i32
      %dma_wait3A_134 = tpu.memref_slice %arg3[%arg0, %arg1, %dma_wait3A_133] : memref<2x16x10240xi32, #tpu.memory_space<hbm>> -> memref<1x1x128xi32, #tpu.memory_space<hbm>>
      %dma_wait3A_135 = tpu.memref_squeeze %dma_wait3A_134 : memref<1x1x128xi32, #tpu.memory_space<hbm>> -> memref<128xi32, #tpu.memory_space<hbm>>
      tpu.wait_dma2 semaphore(%arg22 : memref<!tpu.dma_semaphore, #tpu.memory_space<semaphore_mem>>) src(%dma_wait3A_135 : memref<128xi32, #tpu.memory_space<hbm>>) dst(%arg12 : memref<128xi32, #tpu.memory_space<vmem>>)
      %dma_start3A_136 = arith.constant 0 : i32
      %dma_start3A_137 = arith.constant 0 : i32
      %dma_start3A_138 = tpu.memref_slice %arg6[%dma_start3A_136, %dma_start3A_137] : memref<10240x128xf32, #tpu.memory_space<vmem_shared>> -> memref<10240x128xf32, #tpu.memory_space<vmem_shared>>
      tpu.enqueue_indirect_dma source(%arg16 : memref<128x128xf32, #tpu.memory_space<vmem>>) target(%dma_start3A_138 : memref<10240x128xf32, #tpu.memory_space<vmem_shared>>) offsets(%arg12 : memref<128xi32, #tpu.memory_space<vmem>>) semaphore(%arg28 : memref<!tpu.dma_semaphore, #tpu.memory_space<semaphore_mem>>) {add = true}
      %lt3A = arith.constant 19 : i32
      %lt3A_139 = arith.cmpi slt, %scan3A_70, %lt3A : i32
      %convert_element_type3A_140 = arith.extui %lt3A_139 : i1 to i32
      %cond3A_141 = arith.constant 0 : i32
      %cond3A_142 = arith.cmpi ne, %convert_element_type3A_140, %cond3A_141 : i32
      scf.if %cond3A_142 {
        %add3A_202 = arith.constant 3 : i32
        %add3A_203 = arith.addi %add3A_114, %add3A_202 : i32
        %mul3A_204 = arith.constant 128 : i32
        %mul3A_205 = arith.muli %add3A_203, %mul3A_204 : i32
        %dma_start3A_206 = tpu.memref_slice %arg2[%arg0, %arg1, %mul3A_205] : memref<2x16x10240xi32, #tpu.memory_space<hbm>> -> memref<1x1x128xi32, #tpu.memory_space<hbm>>
        %dma_start3A_207 = tpu.memref_squeeze %dma_start3A_206 : memref<1x1x128xi32, #tpu.memory_space<hbm>> -> memref<128xi32, #tpu.memory_space<hbm>>
        %dma_start3A_208 = tpu.memref_slice %arg2[%arg0, %arg1, %mul3A_205] : memref<2x16x10240xi32, #tpu.memory_space<hbm>> -> memref<1x1x128xi32, #tpu.memory_space<hbm>>
        %dma_start3A_209 = tpu.memref_squeeze %dma_start3A_208 : memref<1x1x128xi32, #tpu.memory_space<hbm>> -> memref<128xi32, #tpu.memory_space<hbm>>
        tpu.enqueue_dma source(%dma_start3A_209 : memref<128xi32, #tpu.memory_space<hbm>>) target(%arg7 : memref<128xi32, #tpu.memory_space<vmem>>) target_semaphore(%arg17 : memref<!tpu.dma_semaphore, #tpu.memory_space<semaphore_mem>>)
        %mul3A_210 = arith.constant 128 : i32
        %mul3A_211 = arith.muli %add3A_203, %mul3A_210 : i32
        %dma_start3A_212 = tpu.memref_slice %arg3[%arg0, %arg1, %mul3A_211] : memref<2x16x10240xi32, #tpu.memory_space<hbm>> -> memref<1x1x128xi32, #tpu.memory_space<hbm>>
        %dma_start3A_213 = tpu.memref_squeeze %dma_start3A_212 : memref<1x1x128xi32, #tpu.memory_space<hbm>> -> memref<128xi32, #tpu.memory_space<hbm>>
        %dma_start3A_214 = tpu.memref_slice %arg3[%arg0, %arg1, %mul3A_211] : memref<2x16x10240xi32, #tpu.memory_space<hbm>> -> memref<1x1x128xi32, #tpu.memory_space<hbm>>
        %dma_start3A_215 = tpu.memref_squeeze %dma_start3A_214 : memref<1x1x128xi32, #tpu.memory_space<hbm>> -> memref<128xi32, #tpu.memory_space<hbm>>
        tpu.enqueue_dma source(%dma_start3A_215 : memref<128xi32, #tpu.memory_space<hbm>>) target(%arg11 : memref<128xi32, #tpu.memory_space<vmem>>) target_semaphore(%arg21 : memref<!tpu.dma_semaphore, #tpu.memory_space<semaphore_mem>>)
      } else {
      }
      %mul3A_143 = arith.constant 4 : i32
      %mul3A_144 = arith.muli %mul3A_143, %scan3A_70 : i32
      %add3A_145 = arith.constant 2 : i32
      %add3A_146 = arith.addi %mul3A_144, %add3A_145 : i32
      %dma_wait3A_147 = arith.constant 0 : i32
      %dma_wait3A_148 = arith.constant 0 : i32
      %dma_wait3A_149 = tpu.memref_slice %arg6[%dma_wait3A_147, %dma_wait3A_148] : memref<10240x128xf32, #tpu.memory_space<vmem_shared>> -> memref<10240x128xf32, #tpu.memory_space<vmem_shared>>
      tpu.wait_indirect_dma semaphore(%arg28 : memref<!tpu.dma_semaphore, #tpu.memory_space<semaphore_mem>>) src(%arg16 : memref<128x128xf32, #tpu.memory_space<vmem>>) dst(%dma_wait3A_149 : memref<10240x128xf32, #tpu.memory_space<vmem_shared>>)
      %dma_wait3A_150 = arith.constant 0 : i32
      %dma_wait3A_151 = tpu.memref_slice %arg2[%arg0, %arg1, %dma_wait3A_150] : memref<2x16x10240xi32, #tpu.memory_space<hbm>> -> memref<1x1x128xi32, #tpu.memory_space<hbm>>
      %dma_wait3A_152 = tpu.memref_squeeze %dma_wait3A_151 : memref<1x1x128xi32, #tpu.memory_space<hbm>> -> memref<128xi32, #tpu.memory_space<hbm>>
      %dma_wait3A_153 = arith.constant 0 : i32
      %dma_wait3A_154 = tpu.memref_slice %arg2[%arg0, %arg1, %dma_wait3A_153] : memref<2x16x10240xi32, #tpu.memory_space<hbm>> -> memref<1x1x128xi32, #tpu.memory_space<hbm>>
      %dma_wait3A_155 = tpu.memref_squeeze %dma_wait3A_154 : memref<1x1x128xi32, #tpu.memory_space<hbm>> -> memref<128xi32, #tpu.memory_space<hbm>>
      tpu.wait_dma2 semaphore(%arg20 : memref<!tpu.dma_semaphore, #tpu.memory_space<semaphore_mem>>) src(%dma_wait3A_155 : memref<128xi32, #tpu.memory_space<hbm>>) dst(%arg10 : memref<128xi32, #tpu.memory_space<vmem>>)
      %dma_start3A_156 = arith.constant 0 : i32
      %dma_start3A_157 = arith.constant 0 : i32
      %dma_start3A_158 = tpu.memref_slice %arg4[%dma_start3A_156, %dma_start3A_157] : memref<10240x128xf32, #tpu.memory_space<hbm>> -> memref<10240x128xf32, #tpu.memory_space<hbm>>
      tpu.enqueue_indirect_dma source(%dma_start3A_158 : memref<10240x128xf32, #tpu.memory_space<hbm>>) target(%arg16 : memref<128x128xf32, #tpu.memory_space<vmem>>) offsets(%arg10 : memref<128xi32, #tpu.memory_space<vmem>>) semaphore(%arg26 : memref<!tpu.dma_semaphore, #tpu.memory_space<semaphore_mem>>)
      %dma_wait3A_159 = arith.constant 0 : i32
      %dma_wait3A_160 = arith.constant 0 : i32
      %dma_wait3A_161 = tpu.memref_slice %arg4[%dma_wait3A_159, %dma_wait3A_160] : memref<10240x128xf32, #tpu.memory_space<hbm>> -> memref<10240x128xf32, #tpu.memory_space<hbm>>
      tpu.wait_indirect_dma semaphore(%arg25 : memref<!tpu.dma_semaphore, #tpu.memory_space<semaphore_mem>>) src(%dma_wait3A_161 : memref<10240x128xf32, #tpu.memory_space<hbm>>) dst(%arg15 : memref<128x128xf32, #tpu.memory_space<vmem>>)
      %dma_wait3A_162 = arith.constant 0 : i32
      %dma_wait3A_163 = tpu.memref_slice %arg3[%arg0, %arg1, %dma_wait3A_162] : memref<2x16x10240xi32, #tpu.memory_space<hbm>> -> memref<1x1x128xi32, #tpu.memory_space<hbm>>
      %dma_wait3A_164 = tpu.memref_squeeze %dma_wait3A_163 : memref<1x1x128xi32, #tpu.memory_space<hbm>> -> memref<128xi32, #tpu.memory_space<hbm>>
      %dma_wait3A_165 = arith.constant 0 : i32
      %dma_wait3A_166 = tpu.memref_slice %arg3[%arg0, %arg1, %dma_wait3A_165] : memref<2x16x10240xi32, #tpu.memory_space<hbm>> -> memref<1x1x128xi32, #tpu.memory_space<hbm>>
      %dma_wait3A_167 = tpu.memref_squeeze %dma_wait3A_166 : memref<1x1x128xi32, #tpu.memory_space<hbm>> -> memref<128xi32, #tpu.memory_space<hbm>>
      tpu.wait_dma2 semaphore(%arg23 : memref<!tpu.dma_semaphore, #tpu.memory_space<semaphore_mem>>) src(%dma_wait3A_167 : memref<128xi32, #tpu.memory_space<hbm>>) dst(%arg13 : memref<128xi32, #tpu.memory_space<vmem>>)
      %dma_start3A_168 = arith.constant 0 : i32
      %dma_start3A_169 = arith.constant 0 : i32
      %dma_start3A_170 = tpu.memref_slice %arg6[%dma_start3A_168, %dma_start3A_169] : memref<10240x128xf32, #tpu.memory_space<vmem_shared>> -> memref<10240x128xf32, #tpu.memory_space<vmem_shared>>
      tpu.enqueue_indirect_dma source(%arg15 : memref<128x128xf32, #tpu.memory_space<vmem>>) target(%dma_start3A_170 : memref<10240x128xf32, #tpu.memory_space<vmem_shared>>) offsets(%arg13 : memref<128xi32, #tpu.memory_space<vmem>>) semaphore(%arg27 : memref<!tpu.dma_semaphore, #tpu.memory_space<semaphore_mem>>) {add = true}
      %lt3A_171 = arith.constant 19 : i32
      %lt3A_172 = arith.cmpi slt, %scan3A_70, %lt3A_171 : i32
      %convert_element_type3A_173 = arith.extui %lt3A_172 : i1 to i32
      %cond3A_174 = arith.constant 0 : i32
      %cond3A_175 = arith.cmpi ne, %convert_element_type3A_173, %cond3A_174 : i32
      scf.if %cond3A_175 {
        %add3A_202 = arith.constant 3 : i32
        %add3A_203 = arith.addi %add3A_146, %add3A_202 : i32
        %mul3A_204 = arith.constant 128 : i32
        %mul3A_205 = arith.muli %add3A_203, %mul3A_204 : i32
        %dma_start3A_206 = tpu.memref_slice %arg2[%arg0, %arg1, %mul3A_205] : memref<2x16x10240xi32, #tpu.memory_space<hbm>> -> memref<1x1x128xi32, #tpu.memory_space<hbm>>
        %dma_start3A_207 = tpu.memref_squeeze %dma_start3A_206 : memref<1x1x128xi32, #tpu.memory_space<hbm>> -> memref<128xi32, #tpu.memory_space<hbm>>
        %dma_start3A_208 = tpu.memref_slice %arg2[%arg0, %arg1, %mul3A_205] : memref<2x16x10240xi32, #tpu.memory_space<hbm>> -> memref<1x1x128xi32, #tpu.memory_space<hbm>>
        %dma_start3A_209 = tpu.memref_squeeze %dma_start3A_208 : memref<1x1x128xi32, #tpu.memory_space<hbm>> -> memref<128xi32, #tpu.memory_space<hbm>>
        tpu.enqueue_dma source(%dma_start3A_209 : memref<128xi32, #tpu.memory_space<hbm>>) target(%arg8 : memref<128xi32, #tpu.memory_space<vmem>>) target_semaphore(%arg18 : memref<!tpu.dma_semaphore, #tpu.memory_space<semaphore_mem>>)
        %mul3A_210 = arith.constant 128 : i32
        %mul3A_211 = arith.muli %add3A_203, %mul3A_210 : i32
        %dma_start3A_212 = tpu.memref_slice %arg3[%arg0, %arg1, %mul3A_211] : memref<2x16x10240xi32, #tpu.memory_space<hbm>> -> memref<1x1x128xi32, #tpu.memory_space<hbm>>
        %dma_start3A_213 = tpu.memref_squeeze %dma_start3A_212 : memref<1x1x128xi32, #tpu.memory_space<hbm>> -> memref<128xi32, #tpu.memory_space<hbm>>
        %dma_start3A_214 = tpu.memref_slice %arg3[%arg0, %arg1, %mul3A_211] : memref<2x16x10240xi32, #tpu.memory_space<hbm>> -> memref<1x1x128xi32, #tpu.memory_space<hbm>>
        %dma_start3A_215 = tpu.memref_squeeze %dma_start3A_214 : memref<1x1x128xi32, #tpu.memory_space<hbm>> -> memref<128xi32, #tpu.memory_space<hbm>>
        tpu.enqueue_dma source(%dma_start3A_215 : memref<128xi32, #tpu.memory_space<hbm>>) target(%arg12 : memref<128xi32, #tpu.memory_space<vmem>>) target_semaphore(%arg22 : memref<!tpu.dma_semaphore, #tpu.memory_space<semaphore_mem>>)
      } else {
      }
      %mul3A_176 = arith.constant 4 : i32
      %mul3A_177 = arith.muli %mul3A_176, %scan3A_70 : i32
      %add3A_178 = arith.constant 3 : i32
      %add3A_179 = arith.addi %mul3A_177, %add3A_178 : i32
      %lt3A_180 = arith.constant 19 : i32
      %lt3A_181 = arith.cmpi slt, %scan3A_70, %lt3A_180 : i32
      %convert_element_type3A_182 = arith.extui %lt3A_181 : i1 to i32
      %cond3A_183 = arith.constant 0 : i32
      %cond3A_184 = arith.cmpi ne, %convert_element_type3A_182, %cond3A_183 : i32
      scf.if %cond3A_184 {
        %dma_wait3A_202 = arith.constant 0 : i32
        %dma_wait3A_203 = arith.constant 0 : i32
        %dma_wait3A_204 = tpu.memref_slice %arg6[%dma_wait3A_202, %dma_wait3A_203] : memref<10240x128xf32, #tpu.memory_space<vmem_shared>> -> memref<10240x128xf32, #tpu.memory_space<vmem_shared>>
        tpu.wait_indirect_dma semaphore(%arg27 : memref<!tpu.dma_semaphore, #tpu.memory_space<semaphore_mem>>) src(%arg15 : memref<128x128xf32, #tpu.memory_space<vmem>>) dst(%dma_wait3A_204 : memref<10240x128xf32, #tpu.memory_space<vmem_shared>>)
        %dma_wait3A_205 = arith.constant 0 : i32
        %dma_wait3A_206 = tpu.memref_slice %arg2[%arg0, %arg1, %dma_wait3A_205] : memref<2x16x10240xi32, #tpu.memory_space<hbm>> -> memref<1x1x128xi32, #tpu.memory_space<hbm>>
        %dma_wait3A_207 = tpu.memref_squeeze %dma_wait3A_206 : memref<1x1x128xi32, #tpu.memory_space<hbm>> -> memref<128xi32, #tpu.memory_space<hbm>>
        %dma_wait3A_208 = arith.constant 0 : i32
        %dma_wait3A_209 = tpu.memref_slice %arg2[%arg0, %arg1, %dma_wait3A_208] : memref<2x16x10240xi32, #tpu.memory_space<hbm>> -> memref<1x1x128xi32, #tpu.memory_space<hbm>>
        %dma_wait3A_210 = tpu.memref_squeeze %dma_wait3A_209 : memref<1x1x128xi32, #tpu.memory_space<hbm>> -> memref<128xi32, #tpu.memory_space<hbm>>
        tpu.wait_dma2 semaphore(%arg17 : memref<!tpu.dma_semaphore, #tpu.memory_space<semaphore_mem>>) src(%dma_wait3A_210 : memref<128xi32, #tpu.memory_space<hbm>>) dst(%arg7 : memref<128xi32, #tpu.memory_space<vmem>>)
        %dma_start3A_211 = arith.constant 0 : i32
        %dma_start3A_212 = arith.constant 0 : i32
        %dma_start3A_213 = tpu.memref_slice %arg4[%dma_start3A_211, %dma_start3A_212] : memref<10240x128xf32, #tpu.memory_space<hbm>> -> memref<10240x128xf32, #tpu.memory_space<hbm>>
        tpu.enqueue_indirect_dma source(%dma_start3A_213 : memref<10240x128xf32, #tpu.memory_space<hbm>>) target(%arg15 : memref<128x128xf32, #tpu.memory_space<vmem>>) offsets(%arg7 : memref<128xi32, #tpu.memory_space<vmem>>) semaphore(%arg25 : memref<!tpu.dma_semaphore, #tpu.memory_space<semaphore_mem>>)
      } else {
      }
      %dma_wait3A_185 = arith.constant 0 : i32
      %dma_wait3A_186 = arith.constant 0 : i32
      %dma_wait3A_187 = tpu.memref_slice %arg4[%dma_wait3A_185, %dma_wait3A_186] : memref<10240x128xf32, #tpu.memory_space<hbm>> -> memref<10240x128xf32, #tpu.memory_space<hbm>>
      tpu.wait_indirect_dma semaphore(%arg26 : memref<!tpu.dma_semaphore, #tpu.memory_space<semaphore_mem>>) src(%dma_wait3A_187 : memref<10240x128xf32, #tpu.memory_space<hbm>>) dst(%arg16 : memref<128x128xf32, #tpu.memory_space<vmem>>)
      %dma_wait3A_188 = arith.constant 0 : i32
      %dma_wait3A_189 = tpu.memref_slice %arg3[%arg0, %arg1, %dma_wait3A_188] : memref<2x16x10240xi32, #tpu.memory_space<hbm>> -> memref<1x1x128xi32, #tpu.memory_space<hbm>>
      %dma_wait3A_190 = tpu.memref_squeeze %dma_wait3A_189 : memref<1x1x128xi32, #tpu.memory_space<hbm>> -> memref<128xi32, #tpu.memory_space<hbm>>
      %dma_wait3A_191 = arith.constant 0 : i32
      %dma_wait3A_192 = tpu.memref_slice %arg3[%arg0, %arg1, %dma_wait3A_191] : memref<2x16x10240xi32, #tpu.memory_space<hbm>> -> memref<1x1x128xi32, #tpu.memory_space<hbm>>
      %dma_wait3A_193 = tpu.memref_squeeze %dma_wait3A_192 : memref<1x1x128xi32, #tpu.memory_space<hbm>> -> memref<128xi32, #tpu.memory_space<hbm>>
      tpu.wait_dma2 semaphore(%arg24 : memref<!tpu.dma_semaphore, #tpu.memory_space<semaphore_mem>>) src(%dma_wait3A_193 : memref<128xi32, #tpu.memory_space<hbm>>) dst(%arg14 : memref<128xi32, #tpu.memory_space<vmem>>)
      %dma_start3A_194 = arith.constant 0 : i32
      %dma_start3A_195 = arith.constant 0 : i32
      %dma_start3A_196 = tpu.memref_slice %arg6[%dma_start3A_194, %dma_start3A_195] : memref<10240x128xf32, #tpu.memory_space<vmem_shared>> -> memref<10240x128xf32, #tpu.memory_space<vmem_shared>>
      tpu.enqueue_indirect_dma source(%arg16 : memref<128x128xf32, #tpu.memory_space<vmem>>) target(%dma_start3A_196 : memref<10240x128xf32, #tpu.memory_space<vmem_shared>>) offsets(%arg14 : memref<128xi32, #tpu.memory_space<vmem>>) semaphore(%arg28 : memref<!tpu.dma_semaphore, #tpu.memory_space<semaphore_mem>>) {add = true}
      %lt3A_197 = arith.constant 19 : i32
      %lt3A_198 = arith.cmpi slt, %scan3A_70, %lt3A_197 : i32
      %convert_element_type3A_199 = arith.extui %lt3A_198 : i1 to i32
      %cond3A_200 = arith.constant 0 : i32
      %cond3A_201 = arith.cmpi ne, %convert_element_type3A_199, %cond3A_200 : i32
      scf.if %cond3A_201 {
        %add3A_202 = arith.constant 3 : i32
        %add3A_203 = arith.addi %add3A_179, %add3A_202 : i32
        %mul3A_204 = arith.constant 128 : i32
        %mul3A_205 = arith.muli %add3A_203, %mul3A_204 : i32
        %dma_start3A_206 = tpu.memref_slice %arg2[%arg0, %arg1, %mul3A_205] : memref<2x16x10240xi32, #tpu.memory_space<hbm>> -> memref<1x1x128xi32, #tpu.memory_space<hbm>>
        %dma_start3A_207 = tpu.memref_squeeze %dma_start3A_206 : memref<1x1x128xi32, #tpu.memory_space<hbm>> -> memref<128xi32, #tpu.memory_space<hbm>>
        %dma_start3A_208 = tpu.memref_slice %arg2[%arg0, %arg1, %mul3A_205] : memref<2x16x10240xi32, #tpu.memory_space<hbm>> -> memref<1x1x128xi32, #tpu.memory_space<hbm>>
        %dma_start3A_209 = tpu.memref_squeeze %dma_start3A_208 : memref<1x1x128xi32, #tpu.memory_space<hbm>> -> memref<128xi32, #tpu.memory_space<hbm>>
        tpu.enqueue_dma source(%dma_start3A_209 : memref<128xi32, #tpu.memory_space<hbm>>) target(%arg9 : memref<128xi32, #tpu.memory_space<vmem>>) target_semaphore(%arg19 : memref<!tpu.dma_semaphore, #tpu.memory_space<semaphore_mem>>)
        %mul3A_210 = arith.constant 128 : i32
        %mul3A_211 = arith.muli %add3A_203, %mul3A_210 : i32
        %dma_start3A_212 = tpu.memref_slice %arg3[%arg0, %arg1, %mul3A_211] : memref<2x16x10240xi32, #tpu.memory_space<hbm>> -> memref<1x1x128xi32, #tpu.memory_space<hbm>>
        %dma_start3A_213 = tpu.memref_squeeze %dma_start3A_212 : memref<1x1x128xi32, #tpu.memory_space<hbm>> -> memref<128xi32, #tpu.memory_space<hbm>>
        %dma_start3A_214 = tpu.memref_slice %arg3[%arg0, %arg1, %mul3A_211] : memref<2x16x10240xi32, #tpu.memory_space<hbm>> -> memref<1x1x128xi32, #tpu.memory_space<hbm>>
        %dma_start3A_215 = tpu.memref_squeeze %dma_start3A_214 : memref<1x1x128xi32, #tpu.memory_space<hbm>> -> memref<128xi32, #tpu.memory_space<hbm>>
        tpu.enqueue_dma source(%dma_start3A_215 : memref<128xi32, #tpu.memory_space<hbm>>) target(%arg13 : memref<128xi32, #tpu.memory_space<vmem>>) target_semaphore(%arg23 : memref<!tpu.dma_semaphore, #tpu.memory_space<semaphore_mem>>)
      } else {
      }
    }
    %scan3A_59 = arith.constant 20 : i32
    %dma_wait3A_60 = arith.constant 0 : i32
    %dma_wait3A_61 = arith.constant 0 : i32
    %dma_wait3A_62 = tpu.memref_slice %arg6[%dma_wait3A_60, %dma_wait3A_61] : memref<10240x128xf32, #tpu.memory_space<vmem_shared>> -> memref<10240x128xf32, #tpu.memory_space<vmem_shared>>
    tpu.wait_indirect_dma semaphore(%arg27 : memref<!tpu.dma_semaphore, #tpu.memory_space<semaphore_mem>>) src(%arg15 : memref<128x128xf32, #tpu.memory_space<vmem>>) dst(%dma_wait3A_62 : memref<10240x128xf32, #tpu.memory_space<vmem_shared>>)
    %dma_wait3A_63 = arith.constant 0 : i32
    %dma_wait3A_64 = arith.constant 0 : i32
    %dma_wait3A_65 = tpu.memref_slice %arg6[%dma_wait3A_63, %dma_wait3A_64] : memref<10240x128xf32, #tpu.memory_space<vmem_shared>> -> memref<10240x128xf32, #tpu.memory_space<vmem_shared>>
    tpu.wait_indirect_dma semaphore(%arg28 : memref<!tpu.dma_semaphore, #tpu.memory_space<semaphore_mem>>) src(%arg16 : memref<128x128xf32, #tpu.memory_space<vmem>>) dst(%dma_wait3A_65 : memref<10240x128xf32, #tpu.memory_space<vmem_shared>>)
    %barrier3A_66 = arith.constant 0 : index
    tpu.barrier barrier_id(%barrier3A_66)
    %mul3A = arith.constant 640 : i32
    %mul3A_67 = arith.muli %arg1, %mul3A : i32
    %mul3A_68 = arith.constant 640 : i32
    %mul3A_69 = arith.muli %arg1, %mul3A_68 : i32
    "tpu.region"() ({
      %run_scoped3A = tpu.sem_alloc : memref<!tpu.dma_semaphore, #tpu.memory_space<semaphore_mem>>
      %dma_start3A_70 = arith.constant 0 : i32
      %dma_start3A_71 = tpu.memref_slice %arg5[%arg0, %mul3A_69, %dma_start3A_70] : memref<2x10240x128xf32, #tpu.memory_space<hbm>> -> memref<1x640x128xf32, #tpu.memory_space<hbm>>
      %dma_start3A_72 = tpu.memref_squeeze %dma_start3A_71 : memref<1x640x128xf32, #tpu.memory_space<hbm>> -> memref<640x128xf32, #tpu.memory_space<hbm>>
      %dma_start3A_73 = arith.constant 0 : i32
      %dma_start3A_74 = tpu.memref_slice %arg6[%mul3A_67, %dma_start3A_73] : memref<10240x128xf32, #tpu.memory_space<vmem_shared>> -> memref<640x128xf32, #tpu.memory_space<vmem_shared>>
      tpu.enqueue_dma source(%dma_start3A_74 : memref<640x128xf32, #tpu.memory_space<vmem_shared>>) target(%dma_start3A_72 : memref<640x128xf32, #tpu.memory_space<hbm>>) target_semaphore(%run_scoped3A : memref<!tpu.dma_semaphore, #tpu.memory_space<semaphore_mem>>)
      %dma_wait3A_75 = arith.constant 0 : i32
      %dma_wait3A_76 = tpu.memref_slice %arg5[%arg0, %mul3A_69, %dma_wait3A_75] : memref<2x10240x128xf32, #tpu.memory_space<hbm>> -> memref<1x640x128xf32, #tpu.memory_space<hbm>>
      %dma_wait3A_77 = tpu.memref_squeeze %dma_wait3A_76 : memref<1x640x128xf32, #tpu.memory_space<hbm>> -> memref<640x128xf32, #tpu.memory_space<hbm>>
      %dma_wait3A_78 = arith.constant 0 : i32
      %dma_wait3A_79 = tpu.memref_slice %arg6[%mul3A_67, %dma_wait3A_78] : memref<10240x128xf32, #tpu.memory_space<vmem_shared>> -> memref<640x128xf32, #tpu.memory_space<vmem_shared>>
      tpu.wait_dma2 semaphore(%run_scoped3A : memref<!tpu.dma_semaphore, #tpu.memory_space<semaphore_mem>>) src(%dma_wait3A_79 : memref<640x128xf32, #tpu.memory_space<vmem_shared>>) dst(%dma_wait3A_77 : memref<640x128xf32, #tpu.memory_space<hbm>>)
      tpu.yield
    }) : () -> ()
    return
  }
}

module attributes {stable_mosaic.version = 14 : i64} {
  func.func @_scale_body(%arg0: i32, %arg1: memref<2x512xf32, #tpu.memory_space<vmem>>, %arg2: memref<512x128xf32, #tpu.memory_space<vmem>>, %arg3: memref<128x128xf32, #tpu.memory_space<vmem>>, %arg4: memref<1x512xf32, #tpu.memory_space<vmem>>, %arg5: memref<512x128xf32, #tpu.memory_space<vmem>>) attributes {dimension_semantics = [#tpu.dimension_semantics<arbitrary>], iteration_bounds = array<i64: 20>, scalar_prefetch = 0 : i64, scratch_operands = 0 : i64, tpu.core_type = #tpu.core_type<tc>, window_params = [{transform_indices = @transform_0, window_bounds = array<i64: 2, 512>}, {transform_indices = @transform_1, window_bounds = array<i64: 512, 128>}, {pipeline_mode = #tpu.pipeline_mode<synchronous>, transform_indices = @transform_2, window_bounds = array<i64: 128, 128>}, {transform_indices = @transform_3, window_bounds = array<i64: 1, 512>}, {transform_indices = @transform_4, window_bounds = array<i64: 512, 128>}]} {
    %get3A = arith.constant 0 : index
    %get3A_0 = arith.constant 0 : index
    %get3A_1 = vector.load %arg1[%get3A, %get3A_0] : memref<2x512xf32, #tpu.memory_space<vmem>>, vector<1x512xf32>
    %get3A_2 = vector.shape_cast %get3A_1 : vector<1x512xf32> to vector<512xf32>
    %add3A = arith.constant 1.000000e+00 : f32
    %add3A_3 = vector.broadcast %add3A : f32 to vector<512xf32>
    %add3A_4 = arith.addf %add3A_3, %get3A_2 : vector<512xf32>
    %get3A_5 = arith.constant 1 : index
    %get3A_6 = arith.constant 0 : index
    %get3A_7 = vector.load %arg1[%get3A_5, %get3A_6] : memref<2x512xf32, #tpu.memory_space<vmem>>, vector<1x512xf32>
    %get3A_8 = vector.shape_cast %get3A_7 : vector<1x512xf32> to vector<512xf32>
    %add3A_9 = arith.addf %add3A_4, %get3A_8 : vector<512xf32>
    %rsqrt3A = math.rsqrt %add3A_9 : vector<512xf32>
    %swap3A = arith.constant 0 : index
    %swap3A_10 = arith.constant 0 : index
    %swap3A_11 = vector.load %arg4[%swap3A, %swap3A_10] : memref<1x512xf32, #tpu.memory_space<vmem>>, vector<1x512xf32>
    %swap3A_12 = vector.shape_cast %swap3A_11 : vector<1x512xf32> to vector<512xf32>
    %swap3A_13 = vector.shape_cast %rsqrt3A : vector<512xf32> to vector<1x512xf32>
    tpu.vector_store %arg4[%swap3A, %swap3A_10], %swap3A_13 {strides = array<i32>} : memref<1x512xf32, #tpu.memory_space<vmem>>, vector<1x512xf32>,
    %get3A_14 = arith.constant 0 : index
    %get3A_15 = arith.constant 0 : index
    %get3A_16 = vector.load %arg2[%get3A_14, %get3A_15] : memref<512x128xf32, #tpu.memory_space<vmem>>, vector<512x128xf32>
    %broadcast_in_dim3A = vector.shape_cast %rsqrt3A : vector<512xf32> to vector<512x1xf32>
    %mul3A = vector.broadcast %broadcast_in_dim3A : vector<512x1xf32> to vector<512x128xf32>
    %mul3A_17 = arith.mulf %get3A_16, %mul3A : vector<512x128xf32>
    %get3A_18 = arith.constant 0 : index
    %get3A_19 = arith.constant 0 : index
    %get3A_20 = vector.load %arg3[%get3A_18, %get3A_19] : memref<128x128xf32, #tpu.memory_space<vmem>>, vector<128x128xf32>
    %dot_general3A = arith.constant dense<0.000000e+00> : vector<512x128xf32>
    %dot_general3A_21 = tpu.matmul %mul3A_17, %get3A_20, %dot_general3A {dimension_numbers = #tpu.dot_dimension_numbers<[1], [0], [0], [1], [0, 0, 1, 1], [], []>, transpose_lhs_hint = false} : vector<512x128xf32>, vector<128x128xf32>, vector<512x128xf32> -> vector<512x128xf32>
    %swap3A_22 = arith.constant 0 : index
    %swap3A_23 = arith.constant 0 : index
    %swap3A_24 = vector.load %arg5[%swap3A_22, %swap3A_23] : memref<512x128xf32, #tpu.memory_space<vmem>>, vector<512x128xf32>
    tpu.vector_store %arg5[%swap3A_22, %swap3A_23], %dot_general3A_21 {strides = array<i32>} : memref<512x128xf32, #tpu.memory_space<vmem>>, vector<512x128xf32>,
    return
  }
  func.func @transform_0(%arg0: i32) -> (i32, i32) {
    %c0_i32 = arith.constant 0 : i32
    %c0_i32_0 = arith.constant 0 : i32
    return %c0_i32, %arg0 : i32, i32
  }
  func.func @transform_1(%arg0: i32) -> (i32, i32) {
    %c0_i32 = arith.constant 0 : i32
    %c0_i32_0 = arith.constant 0 : i32
    return %arg0, %c0_i32 : i32, i32
  }
  func.func @transform_2(%arg0: i32) -> (i32, i32) {
    %c0_i32 = arith.constant 0 : i32
    %c0_i32_0 = arith.constant 0 : i32
    %c0_i32_1 = arith.constant 0 : i32
    return %c0_i32, %c0_i32_0 : i32, i32
  }
  func.func @transform_3(%arg0: i32) -> (i32, i32) {
    %c0_i32 = arith.constant 0 : i32
    %c0_i32_0 = arith.constant 0 : i32
    return %c0_i32, %arg0 : i32, i32
  }
  func.func @transform_4(%arg0: i32) -> (i32, i32) {
    %c0_i32 = arith.constant 0 : i32
    %c0_i32_0 = arith.constant 0 : i32
    return %arg0, %c0_i32 : i32, i32
  }
}

module attributes {stable_mosaic.version = 14 : i64} {
  func.func @_out_body(%arg0: i32, %arg1: memref<2x512x128xf32, #tpu.memory_space<vmem>>, %arg2: memref<512x128xf32, #tpu.memory_space<vmem>>, %arg3: memref<1x512xf32, #tpu.memory_space<vmem>>, %arg4: memref<1x128xf32, #tpu.memory_space<vmem>>, %arg5: memref<512x128xf32, #tpu.memory_space<vmem>>) attributes {dimension_semantics = [#tpu.dimension_semantics<arbitrary>], iteration_bounds = array<i64: 20>, scalar_prefetch = 0 : i64, scratch_operands = 0 : i64, tpu.core_type = #tpu.core_type<tc>, window_params = [{transform_indices = @transform_0, window_bounds = array<i64: 2, 512, 128>}, {transform_indices = @transform_1, window_bounds = array<i64: 512, 128>}, {transform_indices = @transform_2, window_bounds = array<i64: 1, 512>}, {pipeline_mode = #tpu.pipeline_mode<synchronous>, transform_indices = @transform_3, window_bounds = array<i64: 1, 128>}, {transform_indices = @transform_4, window_bounds = array<i64: 512, 128>}]} {
    %get3A = arith.constant 0 : index
    %get3A_0 = arith.constant 0 : index
    %get3A_1 = arith.constant 0 : index
    %get3A_2 = vector.load %arg1[%get3A, %get3A_0, %get3A_1] : memref<2x512x128xf32, #tpu.memory_space<vmem>>, vector<1x512x128xf32>
    %get3A_3 = vector.shape_cast %get3A_2 : vector<1x512x128xf32> to vector<512x128xf32>
    %get3A_4 = arith.constant 1 : index
    %get3A_5 = arith.constant 0 : index
    %get3A_6 = arith.constant 0 : index
    %get3A_7 = vector.load %arg1[%get3A_4, %get3A_5, %get3A_6] : memref<2x512x128xf32, #tpu.memory_space<vmem>>, vector<1x512x128xf32>
    %get3A_8 = vector.shape_cast %get3A_7 : vector<1x512x128xf32> to vector<512x128xf32>
    %add3A = arith.addf %get3A_3, %get3A_8 : vector<512x128xf32>
    %get3A_9 = arith.constant 0 : index
    %get3A_10 = arith.constant 0 : index
    %get3A_11 = vector.load %arg2[%get3A_9, %get3A_10] : memref<512x128xf32, #tpu.memory_space<vmem>>, vector<512x128xf32>
    %add3A_12 = arith.addf %add3A, %get3A_11 : vector<512x128xf32>
    %get3A_13 = arith.constant 0 : index
    %get3A_14 = arith.constant 0 : index
    %get3A_15 = vector.load %arg3[%get3A_13, %get3A_14] : memref<1x512xf32, #tpu.memory_space<vmem>>, vector<1x512xf32>
    %get3A_16 = vector.shape_cast %get3A_15 : vector<1x512xf32> to vector<512xf32>
    %broadcast_in_dim3A = vector.shape_cast %get3A_16 : vector<512xf32> to vector<512x1xf32>
    %mul3A = vector.broadcast %broadcast_in_dim3A : vector<512x1xf32> to vector<512x128xf32>
    %mul3A_17 = arith.mulf %add3A_12, %mul3A : vector<512x128xf32>
    %get3A_18 = arith.constant 0 : index
    %get3A_19 = arith.constant 0 : index
    %get3A_20 = vector.load %arg4[%get3A_18, %get3A_19] : memref<1x128xf32, #tpu.memory_space<vmem>>, vector<1x128xf32>
    %add3A_21 = vector.broadcast %get3A_20 : vector<1x128xf32> to vector<512x128xf32>
    %add3A_22 = arith.addf %mul3A_17, %add3A_21 : vector<512x128xf32>
    %max3A = arith.constant 0.000000e+00 : f32
    %max3A_23 = vector.broadcast %max3A : f32 to vector<512x128xf32>
    %max3A_24 = arith.maximumf %add3A_22, %max3A_23 : vector<512x128xf32>
    %swap3A = arith.constant 0 : index
    %swap3A_25 = arith.constant 0 : index
    %swap3A_26 = vector.load %arg5[%swap3A, %swap3A_25] : memref<512x128xf32, #tpu.memory_space<vmem>>, vector<512x128xf32>
    tpu.vector_store %arg5[%swap3A, %swap3A_25], %max3A_24 {strides = array<i32>} : memref<512x128xf32, #tpu.memory_space<vmem>>, vector<512x128xf32>,
    return
  }
  func.func @transform_0(%arg0: i32) -> (i32, i32, i32) {
    %c0_i32 = arith.constant 0 : i32
    %c0_i32_0 = arith.constant 0 : i32
    %c0_i32_1 = arith.constant 0 : i32
    return %c0_i32, %arg0, %c0_i32_0 : i32, i32, i32
  }
  func.func @transform_1(%arg0: i32) -> (i32, i32) {
    %c0_i32 = arith.constant 0 : i32
    %c0_i32_0 = arith.constant 0 : i32
    return %arg0, %c0_i32 : i32, i32
  }
  func.func @transform_2(%arg0: i32) -> (i32, i32) {
    %c0_i32 = arith.constant 0 : i32
    %c0_i32_0 = arith.constant 0 : i32
    return %c0_i32, %arg0 : i32, i32
  }
  func.func @transform_3(%arg0: i32) -> (i32, i32) {
    %c0_i32 = arith.constant 0 : i32
    %c0_i32_0 = arith.constant 0 : i32
    %c0_i32_1 = arith.constant 0 : i32
    return %c0_i32, %c0_i32_0 : i32, i32
  }
  func.func @transform_4(%arg0: i32) -> (i32, i32) {
    %c0_i32 = arith.constant 0 : i32
    %c0_i32_0 = arith.constant 0 : i32
    return %arg0, %c0_i32 : i32, i32
  }
}

</mosaic_0001>

<sc_bundles>
// kernel: kernel.6.cloned.1.call-start
scs
__scs_entry_jumppad:
0x0: {  	(pc) =	sbr.rel $0x88, $3  }
0x1: {  	(tag) =	ssettag $0x0;
	lr =	simm.s32 $0x1  }
0x2: {  	[smem:$0x3F9D] =	sst lr;
	_ =	strace $0xD0000000  }
0x3: {  	_ = 	snop  }
0x4: {  	_ = 	snop  }
0x5: {  	_ = 	snop  }
0x6: {  	_ = 	snop  }
0x7: {  	_ = 	snop  }
__scs_overlays_trampoline_lowered:
0x8: {  	[smem:$0x3FAC] =	sst s0  }
0x9: {  	[smem:$0x3FAD] =	sst s1  }
0xa: {  	[smem:$0x3FAE] =	sst s2  }
0xb: {  	[smem:$0x3FAF] =	sst s3  }
0xc: {  	[smem:$0x3FB0] =	sst s4  }
0xd: {  	[smem:$0x3FB1] =	sst s5  }
0xe: {  	[smem:$0x3FB2] =	sst s6  }
0xf: {  	[smem:$0x3FB3] =	sst s7  }
0x10: {  	[smem:$0x3FB4] =	sst s8  }
0x11: {  	[smem:$0x3FB5] =	sst s9;
	s0 =	simm.s32 @!p0 $0x0  }
0x12: {  	s1 =	sld [smem:$0x3F9B];
	s0 =	simm.s32 @p0 $0x1  }
0x13: {  	[smem:$0x3FB6] =	sst s0;
	s0 =	simm.s32 @!p1 $0x0  }
0x14: {  	s2 =	sld [smem:$0x3F9A];
	s0 =	simm.s32 @p1 $0x1  }
0x15: {  	[smem:$0x3FB7] =	sst s0;
	s0 =	simm.s32 @!p2 $0x0  }
0x16: {  	s3 =	sld [smem:$0x3FDB];
	s0 =	simm.s32 @p2 $0x1  }
0x17: {  	s4 =	simm.s32 $0x1BF5;
	[smem:$0x3FB9] =	sst s0  }
0x18: {  	s0 =	sld [smem:$0x3F9C];
	_ =	swait.ge [sflag:s4], $0x0  }
0x19: {  	s7 =	sld [smem:$0x3F9D]  }
0x1a: {  	s8 =	sadd.s32 $0xFFFFE003, lr  }
0x1b: {  	s9 =	sadd.s32 $0xFFFFFEF7, lr;
	s5 =	simm.s32 $0xFFFFFFFF;
	p2 =	slt.u32 s8, $0xFFFFF086  }
0x1c: {  	p1 =	slt.u32 s9, $0xF7A;
	s5 =	simm.s32 @!p2 $0x0  }
0x1d: {  	s5 =	simm.s32 @p1 $0x1;
	p0 =	seq.s32 s7, s2  }
0x1e: {  	s7 =	smul.u32 @!p0 $0xF7A, s2;
	p2 =	seq.s32 @!p0 s5, $0x0  }
0x1f: {  	s9 =	smul.u32 $0xF7A, s1;
	s8 =	simm.s32 @!p0 $0x1BF5;
	p2 =	por !p2, p0  }
0x20: {  	[sflag:s8] =	ssyncset.s32 @!p0 $0xFFFFF086;
	s6 =	sadd.s32 @!p0 s3, s7;
	s7 =	simm.s32 @!p0 $0x108  }
0x21: {  	s3 =	sadd.s32 s3, s9;
	s6 =	sadd.s32 @!p0 $0x88, s6;
	s7 =	simm.s32 @p2 $0x1082  }
0x22: {  	[simem:s7], [sflag:s8] =	dma.local @!p0 [hbm:s6], $0xF7A  }
0x23: {  	s9 =	sor.u32 $0xD0000000, s2;
	s6 =	simm.s32 $0x108;
	_ =	swait.ge @!p0 [sflag:s8], $0x0  }
0x24: {  	s3 =	sadd.s32 $0x88, s3;
	s6 =	simm.s32 @!p1 $0x1082;
	[sflag:s4] =	ssyncset.s32 $0xFFFFF086  }
0x25: {  	[simem:s6], [sflag:s4] =	dma.local [hbm:s3], $0xF7A  }
0x26: {  	[smem:$0x3F9D] =	sst s1;
	(tag) =	ssettag s2;
	_ =	strace s9  }
0x27: {  	s1 =	sld [smem:$0x3FAD]  }
0x28: {  	s2 =	sld [smem:$0x3FAE]  }
0x29: {  	s4 =	sld [smem:$0x3FB0]  }
0x2a: {  	p0 =	seq.s32 s5, $0x0;
	s5 =	sld [smem:$0x3FB1]  }
0x2b: {  	s6 =	sld [smem:$0x3FB2]  }
0x2c: {  	s7 =	sld [smem:$0x3FB3]  }
0x2d: {  	s3 =	simm.s32 $0x108;
	s8 =	sld [smem:$0x3FB4]  }
0x2e: {  	s3 =	simm.s32 @!p0 $0x1082;
	s9 =	sld [smem:$0x3FB5]  }
0x2f: {  	lr =	sadd.s32 s0, s3;
	s0 =	sld [smem:$0x3FAC]  }
0x30: {  	s3 =	sld [smem:$0x3FAF]  }
0x31: {  	[smem:$0x3FB8] =	sst s10  }
0x32: {  	s10 =	sld [smem:$0x3FB6];
	_ =	sdelay $0x3  }
0x33: {  	p0 =	seq.s32 s10, $0x1;
	s10 =	sld [smem:$0x3FB8];
	_ =	sdelay $0x3  }
0x34: {  	[smem:$0x3FB8] =	sst s10  }
0x35: {  	s10 =	sld [smem:$0x3FB7];
	_ =	sdelay $0x3  }
0x36: {  	p1 =	seq.s32 s10, $0x1;
	s10 =	sld [smem:$0x3FB8];
	_ =	sdelay $0x3  }
0x37: {  	[smem:$0x3FB8] =	sst s10  }
0x38: {  	s10 =	sld [smem:$0x3FB9]  }
0x39: {  	_ = 	snop;
	(pc) =	sbr.ind lr, $3  }
0x3a: {  	_ = 	snop  }
0x3b: {  	_ = 	snop  }
0x3c: {  	p2 =	seq.s32 s10, $0x1;
	s10 =	sld [smem:$0x3FB8]  }
0x3d: {  	_ =	shalt  }
0x3e: {  	_ =	shalt  }
0x3f: {  	_ =	shalt  }
0x40: {  	_ =	shalt  }
0x41: {  	_ =	shalt  }
0x42: {  	_ =	shalt  }
0x43: {  	_ =	shalt  }
0x44: {  	_ =	shalt  }
0x45: {  	_ =	shalt  }
0x46: {  	_ =	shalt  }
0x47: {  	_ =	shalt  }
0x48: {  	_ =	shalt  }
0x49: {  	_ =	shalt  }
0x4a: {  	_ =	shalt  }
0x4b: {  	_ =	shalt  }
0x4c: {  	_ =	shalt  }
0x4d: {  	_ =	shalt  }
0x4e: {  	_ =	shalt  }
0x4f: {  	_ =	shalt  }
0x50: {  	_ =	shalt  }
0x51: {  	_ =	shalt  }
0x52: {  	_ =	shalt  }
0x53: {  	_ =	shalt  }
0x54: {  	_ =	shalt  }
0x55: {  	_ =	shalt  }
0x56: {  	_ =	shalt  }
0x57: {  	_ =	shalt  }
0x58: {  	_ =	shalt  }
0x59: {  	_ =	shalt  }
0x5a: {  	_ =	shalt  }
0x5b: {  	_ =	shalt  }
0x5c: {  	_ =	shalt  }
0x5d: {  	_ =	shalt  }
0x5e: {  	_ =	shalt  }
0x5f: {  	_ =	shalt  }
0x60: {  	_ =	shalt  }
0x61: {  	_ =	shalt  }
0x62: {  	_ =	shalt  }
0x63: {  	_ =	shalt  }
0x64: {  	_ =	shalt  }
0x65: {  	_ =	shalt  }
0x66: {  	_ =	shalt  }
0x67: {  	_ =	shalt  }
0x68: {  	_ =	shalt  }
0x69: {  	_ =	shalt  }
0x6a: {  	_ =	shalt  }
0x6b: {  	_ =	shalt  }
0x6c: {  	_ =	shalt  }
0x6d: {  	_ =	shalt  }
0x6e: {  	_ =	shalt  }
0x6f: {  	_ =	shalt  }
0x70: {  	_ =	shalt  }
0x71: {  	_ =	shalt  }
0x72: {  	_ =	shalt  }
0x73: {  	_ =	shalt  }
0x74: {  	_ =	shalt  }
0x75: {  	_ =	shalt  }
0x76: {  	_ =	shalt  }
0x77: {  	_ =	shalt  }
0x78: {  	_ =	shalt  }
0x79: {  	_ =	shalt  }
0x7a: {  	_ =	shalt  }
0x7b: {  	_ =	shalt  }
0x7c: {  	_ =	shalt  }
0x7d: {  	_ =	shalt  }
0x7e: {  	_ =	shalt  }
0x7f: {  	_ =	shalt  }
0x80: {  	_ =	shalt  }
0x81: {  	_ =	shalt  }
0x82: {  	_ =	shalt  }
0x83: {  	_ =	shalt  }
0x84: {  	_ =	shalt  }
0x85: {  	_ =	shalt  }
0x86: {  	_ =	shalt  }
0x87: {  	_ =	shalt  }
.Lfunc_end0:
.L_simem_size_0:
called_computation_lowered:
.L_overlay_start_0:
0x88: {  	s2 =	sld [smem:$0x3FD9]  }
0x89: {  	s3 =	sld [smem:$0x3FFE];
	_ =	sdelay $0x1  }
0x8a: {  	s1 =	srdreg.scid  }
0x8b: {  	s0 =	sand.u32 $0x1, s1  }
0x8c: {  	s17 =	sshll.u32 s0, $0xA;
	s2 =	sadd.s32 s3, s2  }
0x8d: {  	s2 =	sadd.s32 s2, s17  }
0x8e: {  	[smem:$0x3FC4] =	sst s2  }
0x8f: {  	_ = 	snop  }
0x90: {  	s2 =	sld [smem:$0x3FD0];
	(tm) =	ssettm $0x1  }
0x91: {  	s18 =	sld [smem:$0x3FFB];
	_ =	sdelay $0x3  }
0x92: {  	_ =	strace s18  }
0x93: {  	s3 =	sld [smem:$0x3FFC];
	_ =	sdelay $0x3  }
0x94: {  	_ =	strace s3  }
0x95: {  	s3 =	sld [smem:$0x3FFD];
	_ =	sdelay $0x3  }
0x96: {  	_ =	strace s3  }
0x97: {  	_ =	strace $0x8FFFFFFF  }
0x98: {  	s19 =	sld [smem:$0x3FDB];
	_ =	sdelay $0x1  }
0x99: {  	s4 =	simm.s32 $_scs_section_size  }
0x9a: {  	s5 =	simm.s32 $_size__tile_overlayer_lowered;
	s6 =	simm.s32 $_tile_overlayer_lowered  }
0x9b: {  	s22 =	simm.s32 $0x1BFF;
	s21 =	sshll.u32 s6, $0x1;
	s3 =	sadd.s32 s4, s19  }
0x9c: {  	s7 =	simm.s32 $0x0;
	s20 =	sshll.u32 s5, $0x1;
	s5 =	sadd.s32 s21, s3  }
0x9d: {  	[timem:s7], [sflag:s22] =	dma.local [hbm:s5], s20  }
0x9e: {  	_ =	swait.ge [sflag:s22], s20  }
0x9f: {  	s4 =	ssub.s32 $0x0, s20;
	[sflag:s22] =	ssyncset.done $0x0  }
0xa0: {  	[sflag:s22] =	ssyncadd.s32 s4;
	_ =	sdelay $0x1  }
0xa1: {  	s23 =	simm.s32 $0x1B8B  }
0xa2: {  	_ =	swait.ge [sflag:s23], $0x1  }
0xa3: {  	[sflag:s23] =	ssyncset.done $0x0  }
0xa4: {  	s25 =	simm.s32 $0x1B8E;
	s24 =	sld [smem:$0x3FFE];
	[sflag:s23] =	ssyncadd.s32 $0xFFFFFFFF  }
0xa5: {  	s26 =	simm.s32 $execute0_lowered;
	[smem:$0x3FD2] =	sst s25  }
0xa6: {  	s5 =	sshll.u32 s26, $0x1;
	_ =	strace $0x80000046;
	[dreg:$0x1] =	wrdreg $0xFFFFFFFF  }
0xa7: {  	s28 =	simm.s32 $_size_execute0_lowered;
	s3 =	sadd.s32 s3, s5;
	[dreg:$0x0] =	wrdreg $0x0  }
0xa8: {  	s5 =	sshll.u32 s28, $0x1;
	[dreg:$0x2] =	wrdreg s3  }
0xa9: {  	[dreg:$0x3] =	wrdreg s5  }
0xaa: {  	[dreg:$0x4] =	wrdreg $0xC0  }
0xab: {  	_ =	task [dreg:s7], $0x5FFFF  }
0xac: {  	[dreg:$0x1] =	wrdreg $0xFFFFFFFF  }
0xad: {  	[dreg:$0x0] =	wrdreg $0x60  }
0xae: {  	[dreg:$0x2] =	wrdreg s2  }
0xaf: {  	[dreg:$0x3] =	wrdreg s24  }
0xb0: {  	[dreg:$0x4] =	wrdreg $0x0  }
0xb1: {  	[dreg:$0x5] =	wrdreg $0x9  }
0xb2: {  	_ =	task.clear_ibuf [dreg:s7], $0x6FFFF;
	_ =	strace $0x90000046  }
0xb3: {  	s29 =	simm.s32 $0x9;
	_ =	strace $0x80000048  }
0xb4: {  	_ =	swait.ge [sflag:s29], $0x1  }
0xb5: {  	[sflag:s29] =	ssyncadd.s32 $0xFFFFFFFF  }
0xb6: {  	_ =	strace $0x90000048  }
0xb7: {  	_ =	sfence  }
0xb8: {  	s30 =	sld [smem:$0x0];
	_ =	sdelay $0x2  }
0xb9: {  	s31 =	sshll.u32 s1, $0xD;
	s1 =	sshrl.u32 s1, $0x2  }
0xba: {  	s3 =	sand.u32 $0x4000, s31;
	s1 =	sadd.s32 s1, s30  }
0xbb: {  	s0 =	sor.u32 s3, s0;
	s1 =	sshll.u32 s1, $0x11  }
0xbc: {  	s0 =	sor.u32 s1, s0  }
0xbd: {  	s0 =	sadd.s32 $0x8F2B, s0  }
0xbe: {  	[sflag:s0] =	ssyncadd.remote.s32 $0x1  }
0xbf: {  	_ =	sfence.sel $0xFFFF  }
0xc0: {  	[dreg:$0x0] =	wrdreg $0xFFFFFFFF;
	(pc) =	sbr.abs _section_cstart, $3  }
0xc1: {  	[dreg:$0x1] =	wrdreg $0xFFFFFFFF  }
0xc2: {  	_ =	task.clear_ibuf [dreg:s7], $0x2FFFF;
	_ =	strace $0x9FFFFFFF  }
0xc3: {  	(tm) =	ssettm $0x7FFFFFFF  }
tec
execute0_lowered:
.L_overlay_start_1:
0x0: {  	(tag) =	ssettag $0x1  }
0x1: {  	s5 =	rddreg [dreg:$0x0]  }
0x2: {  	s4 =	rddreg [dreg:$0x1]  }
0x3: {  	s2 =	rddreg [dreg:$0x2]  }
0x4: {  	s0 =	rddreg [dreg:$0x3]  }
0x5: {  	s6 =	srdreg.scid;
	s1 =	stileid.u32  }
0x6: {  	s3 =	simm.s32 $0x0;
	s11 =	simm.s32 $0x80;
	s12 =	simm.s32 $0x2A80  }
0x7: {  	s15 =	simm.s32 $0x20;
	s16 =	simm.s32 $0x10;
	s7 =	smul.u32 $0x500, s1  }
0x8: {  	s17 =	simm.s32 $0x0;
	s6 =	sand.u32 $0x1, s6;
	s26 =	smul.u32 $0x2800, s1  }
0x9: {  	[smem:$0x7FF] =	sst s3;
	s10 =	smul.u32 $0xA00, s1;
	s13 =	sshll.u32 s1, $0x6  }
0xa: {  	s8 =	sshll.u32 s6, $0x7;
	s9 =	smul.u32 $0x28000, s6;
	_ =	strace $0x80000047  }
0xb: {  	s6 =	ssub.s32 $0x2, s6;
	s13 =	sor.u32 $0x1C01, s13;
	s7 =	sor.u32 s8, s7  }
0xc: {  	s28 =	sshrl.u32 s6, $0x1;
	s30 =	sshrl.u32 s10, $0x2;
	s10 =	simm.s32 $0x280  }
0xd: {  	s7 =	sshrl.u32 s7, $0x3;
	s8 =	sadd.s32 s26, s9;
	s29 =	ssub.s32 s6, s28  }
0xe: {  	s9 =	simm.s32 $0x1;
	s7 =	sadd.s32 s7, s4;
	s31 =	sshrl.u32 s8, $0x3  }
0xf: {  	s4 =	sadd.s32 s30, s2;
	s8 =	simm.s32 $0x2B00;
	s5 =	sadd.s32 s5, s31  }
0x10: {  	v0 =	vimm.f32 $0.0e+00;
	v1 =	vimm.f32 $1.000000000e+00;
	s6 =	sadd.s32 $0x1C00, s7;
	s7 =	smax.u32 s29, $0x1;
	s14 =	sshrl.u32 s4, $0x3  }
.LBB2_1:
0x11: {  	[tilespmem:$0x2B00] =	vst v0  }
0x12: {  	[tilespmem:$0x2B10] =	vst v0  }
0x13: {  	[tilespmem:$0x2B20] =	vst v0  }
0x14: {  	[tilespmem:$0x2B30] =	vst v0  }
0x15: {  	[tilespmem:$0x2B40] =	vst v0  }
0x16: {  	[tilespmem:$0x2B50] =	vst v0  }
0x17: {  	[tilespmem:$0x2B60] =	vst v0  }
0x18: {  	[tilespmem:$0x2B70] =	vst v0  }
0x19: {  	[tilespmem:$0x2B80] =	vst v0  }
0x1a: {  	[tilespmem:$0x2B90] =	vst v0  }
0x1b: {  	[tilespmem:$0x2BA0] =	vst v0  }
0x1c: {  	[tilespmem:$0x2BB0] =	vst v0  }
0x1d: {  	[tilespmem:$0x2BC0] =	vst v0  }
0x1e: {  	[tilespmem:$0x2BD0] =	vst v0  }
0x1f: {  	[tilespmem:$0x2BE0] =	vst v0  }
0x20: {  	[tilespmem:$0x2BF0] =	vst v0  }
0x21: {  	[tilespmem:$0x2C00] =	vst v0  }
0x22: {  	[tilespmem:$0x2C10] =	vst v0  }
0x23: {  	[tilespmem:$0x2C20] =	vst v0  }
0x24: {  	[tilespmem:$0x2C30] =	vst v0  }
0x25: {  	[tilespmem:$0x2C40] =	vst v0  }
0x26: {  	[tilespmem:$0x2C50] =	vst v0  }
0x27: {  	[tilespmem:$0x2C60] =	vst v0  }
0x28: {  	[tilespmem:$0x2C70] =	vst v0  }
0x29: {  	[tilespmem:$0x2C80] =	vst v0  }
0x2a: {  	[tilespmem:$0x2C90] =	vst v0  }
0x2b: {  	[tilespmem:$0x2CA0] =	vst v0  }
0x2c: {  	[tilespmem:$0x2CB0] =	vst v0  }
0x2d: {  	[tilespmem:$0x2CC0] =	vst v0  }
0x2e: {  	[tilespmem:$0x2CD0] =	vst v0  }
0x2f: {  	[tilespmem:$0x2CE0] =	vst v0  }
0x30: {  	[tilespmem:$0x2CF0] =	vst v0  }
0x31: {  	[tilespmem:$0x2D00] =	vst v0  }
0x32: {  	[tilespmem:$0x2D10] =	vst v0  }
0x33: {  	[tilespmem:$0x2D20] =	vst v0  }
0x34: {  	[tilespmem:$0x2D30] =	vst v0  }
0x35: {  	[tilespmem:$0x2D40] =	vst v0  }
0x36: {  	[tilespmem:$0x2D50] =	vst v0  }
0x37: {  	[tilespmem:$0x2D60] =	vst v0  }
0x38: {  	[tilespmem:$0x2D70] =	vst v0  }
0x39: {  	[tilespmem:$0x2A80] =	vst v1  }
0x3a: {  	[tilespmem:$0x2A90] =	vst v1  }
0x3b: {  	[tilespmem:$0x2AA0] =	vst v1  }
0x3c: {  	[tilespmem:$0x2AB0] =	vst v1  }
0x3d: {  	[tilespmem:$0x2AC0] =	vst v1  }
0x3e: {  	[tilespmem:$0x2AD0] =	vst v1  }
0x3f: {  	[tilespmem:$0x2AE0] =	vst v1  }
0x40: {  	[tilespmem:$0x2AF0] =	vst v1  }
0x41: {  	[spmem:s4] =	stream.linear.scatter [tilespmem:s8], [sflag:$0x1], $0x280, $0x38;
	[tilespmem:$0x2D80] =	vst v63  }
0x42: {  	_ =	swait.ge [sflag:s9], $0x280  }
0x43: {  	[sflag:s9] =	ssyncset.done $0x0  }
0x44: {  	[sflag:s9] =	ssyncadd.s32 $0xFFFFFD80  }
0x45: {  	[tilespmem:s10], [sflag:$0x1] =	stream.linear.gather [hbm4b:s5+s3], $0x2800, $0x38;
	[tilespmem:$0x2D80] =	vst v63  }
0x46: {  	_ =	swait.ge [sflag:s9], $0x2800  }
0x47: {  	[sflag:s9] =	ssyncset.done $0x0  }
0x48: {  	[sflag:s9] =	ssyncadd.s32 $0xFFFFD800  }
0x49: {  	s18 =	simm.s32 $0x280;
	[bflag:$0x0] =	sbarrier.arrive $0xFFFF  }
0x4a: {  	[spmem:s2] =	stream.indirect.scatter.add.f32 [tilespmem:s12], [sflag:$0x1], $0x1, s18, s11, $0xb8;
	[tilespmem:$0x2D80] =	vst v63  }
0x4b: {  	s18 =	simm.s32 $0x200;
	_ =	swait.ge [sflag:s9], $0x80  }
.LBB2_2:
0x4c: {  	s19 =	sshra.s32 s18, $0x2;
	[sflag:s9] =	ssyncset.done $0x0;
	p0 =	sne.s32 s18, $0x9E00  }
.Ltmp0:
0x4d: {  	s19 =	sadd.s32 $0x280, s19;
	[sflag:s9] =	ssyncadd.s32 $0xFFFFFF80;
	(pc) =	sbr.rel @p0 .LBB2_2-.Ltmp0, $3  }
0x4e: {  	[spmem:s2] =	stream.indirect.scatter.add.f32 [tilespmem:s12], [sflag:$0x1], $0x1, s19, s11, $0xb8;
	[tilespmem:$0x2D80] =	vst v63  }
0x4f: {  	s18 =	sadd.s32 $0x200, s18;
	_ =	sdelay $0x1  }
0x50: {  	_ =	swait.ge [sflag:s9], $0x80  }
0x51: {  	[sflag:s9] =	ssyncset.done $0x0;
	s17 =	sadd.s32 $0x1, s17  }
0x52: {  	[sflag:s9] =	ssyncadd.s32 $0xFFFFFF80;
	p0 =	sne.s32 s17, s7  }
.Ltmp1:
0x53: {  	[bflag:$0x0] =	sbarrier.arrive $0xFFFF;
	(pc) =	sbr.rel @p0 .LBB2_1-.Ltmp1, $4  }
0x54: {  	[hbm:s6@s15], [sflag:s13] =	dma.strided [spmem:s14@s16], $0x50, s9, $0x10   }
0x55: {  	_ =	swait.ge [sflag:s9], $0x50  }
0x56: {  	[sflag:s9] =	ssyncset.done $0x0  }
0x57: {  	[sflag:s9] =	ssyncadd.s32 $0xFFFFFFB0  }
0x58: {  	_ =	sfence.sel $0x180000  }
0x59: {  	[bflag:$0x0] =	sbarrier.arrive $0xFFFF  }
0x5a: {  	p0 =	sne.s32 s1, $0x0;
	_ =	strace $0x90000047  }
0x5b: {  	s0 =	sadd.s32 @!p0 $0x100000, s0;
	[bflag:$0x2] =	sbarrier.arrive $0xFFFF  }
0x5c: {  	[sflag:s0] =	ssyncadd.tile.s32 @!p0 $0x1;
	_ =	shalt  }
.Lfunc_end2:
_tile_overlayer_lowered:
.L_overlay_start_2:
0x5d: {  	(tag) =	ssettag $0x2  }
0x5e: {  	s0 =	rddreg [dreg:$0x0];
	s2 =	stileid.u32  }
0x5f: {  	s1 =	rddreg [dreg:$0x1];
	p0 =	sne.s32 s2, $0x0  }
0x60: {  	s3 =	rddreg [dreg:$0x2];
	[bflag:$0x3] =	sbarrier.arrive $0xFFFF;
	s2 =	simm.s32 @!p0 $0x1C01  }
0x61: {  	[timem:s3], [sflag:s2] =	dma.local @!p0 [hbm:s0], s1  }
0x62: {  	s0 =	simm.s32 @!p0 $0x1  }
0x63: {  	_ =	swait.ge @!p0 [sflag:s0], s1  }
0x64: {  	s1 =	ssub.s32 @!p0 $0x0, s1;
	[sflag:s0] =	ssyncset.done @!p0 $0x0  }
0x65: {  	[sflag:s0] =	ssyncadd.s32 @!p0 s1  }
0x66: {  	[bflag:$0x3] =	sbarrier.arrive $0xFFFF  }
0x67: {  	_ =	shalt  }

// kernel: kernel.9.cloned.1.call-start
scs
__scs_entry_jumppad:
0x0: {  	(pc) =	sbr.rel $0x88, $3  }
0x1: {  	(tag) =	ssettag $0x0;
	lr =	simm.s32 $0x1  }
0x2: {  	[smem:$0x3F9D] =	sst lr;
	_ =	strace $0xD0000000  }
0x3: {  	_ = 	snop  }
0x4: {  	_ = 	snop  }
0x5: {  	_ = 	snop  }
0x6: {  	_ = 	snop  }
0x7: {  	_ = 	snop  }
__scs_overlays_trampoline_lowered:
0x8: {  	[smem:$0x3FAC] =	sst s0  }
0x9: {  	[smem:$0x3FAD] =	sst s1  }
0xa: {  	[smem:$0x3FAE] =	sst s2  }
0xb: {  	[smem:$0x3FAF] =	sst s3  }
0xc: {  	[smem:$0x3FB0] =	sst s4  }
0xd: {  	[smem:$0x3FB1] =	sst s5  }
0xe: {  	[smem:$0x3FB2] =	sst s6  }
0xf: {  	[smem:$0x3FB3] =	sst s7  }
0x10: {  	[smem:$0x3FB4] =	sst s8  }
0x11: {  	[smem:$0x3FB5] =	sst s9;
	s0 =	simm.s32 @!p0 $0x0  }
0x12: {  	s1 =	sld [smem:$0x3F9B];
	s0 =	simm.s32 @p0 $0x1  }
0x13: {  	[smem:$0x3FB6] =	sst s0;
	s0 =	simm.s32 @!p1 $0x0  }
0x14: {  	s2 =	sld [smem:$0x3F9A];
	s0 =	simm.s32 @p1 $0x1  }
0x15: {  	[smem:$0x3FB7] =	sst s0;
	s0 =	simm.s32 @!p2 $0x0  }
0x16: {  	s3 =	sld [smem:$0x3FDB];
	s0 =	simm.s32 @p2 $0x1  }
0x17: {  	s4 =	simm.s32 $0x1BF5;
	[smem:$0x3FB9] =	sst s0  }
0x18: {  	s0 =	sld [smem:$0x3F9C];
	_ =	swait.ge [sflag:s4], $0x0  }
0x19: {  	s7 =	sld [smem:$0x3F9D]  }
0x1a: {  	s8 =	sadd.s32 $0xFFFFE003, lr  }
0x1b: {  	s9 =	sadd.s32 $0xFFFFFEF7, lr;
	s5 =	simm.s32 $0xFFFFFFFF;
	p2 =	slt.u32 s8, $0xFFFFF086  }
0x1c: {  	p1 =	slt.u32 s9, $0xF7A;
	s5 =	simm.s32 @!p2 $0x0  }
0x1d: {  	s5 =	simm.s32 @p1 $0x1;
	p0 =	seq.s32 s7, s2  }
0x1e: {  	s7 =	smul.u32 @!p0 $0xF7A, s2;
	p2 =	seq.s32 @!p0 s5, $0x0  }
0x1f: {  	s9 =	smul.u32 $0xF7A, s1;
	s8 =	simm.s32 @!p0 $0x1BF5;
	p2 =	por !p2, p0  }
0x20: {  	[sflag:s8] =	ssyncset.s32 @!p0 $0xFFFFF086;
	s6 =	sadd.s32 @!p0 s3, s7;
	s7 =	simm.s32 @!p0 $0x108  }
0x21: {  	s3 =	sadd.s32 s3, s9;
	s6 =	sadd.s32 @!p0 $0x88, s6;
	s7 =	simm.s32 @p2 $0x1082  }
0x22: {  	[simem:s7], [sflag:s8] =	dma.local @!p0 [hbm:s6], $0xF7A  }
0x23: {  	s9 =	sor.u32 $0xD0000000, s2;
	s6 =	simm.s32 $0x108;
	_ =	swait.ge @!p0 [sflag:s8], $0x0  }
0x24: {  	s3 =	sadd.s32 $0x88, s3;
	s6 =	simm.s32 @!p1 $0x1082;
	[sflag:s4] =	ssyncset.s32 $0xFFFFF086  }
0x25: {  	[simem:s6], [sflag:s4] =	dma.local [hbm:s3], $0xF7A  }
0x26: {  	[smem:$0x3F9D] =	sst s1;
	(tag) =	ssettag s2;
	_ =	strace s9  }
0x27: {  	s1 =	sld [smem:$0x3FAD]  }
0x28: {  	s2 =	sld [smem:$0x3FAE]  }
0x29: {  	s4 =	sld [smem:$0x3FB0]  }
0x2a: {  	p0 =	seq.s32 s5, $0x0;
	s5 =	sld [smem:$0x3FB1]  }
0x2b: {  	s6 =	sld [smem:$0x3FB2]  }
0x2c: {  	s7 =	sld [smem:$0x3FB3]  }
0x2d: {  	s3 =	simm.s32 $0x108;
	s8 =	sld [smem:$0x3FB4]  }
0x2e: {  	s3 =	simm.s32 @!p0 $0x1082;
	s9 =	sld [smem:$0x3FB5]  }
0x2f: {  	lr =	sadd.s32 s0, s3;
	s0 =	sld [smem:$0x3FAC]  }
0x30: {  	s3 =	sld [smem:$0x3FAF]  }
0x31: {  	[smem:$0x3FB8] =	sst s10  }
0x32: {  	s10 =	sld [smem:$0x3FB6];
	_ =	sdelay $0x3  }
0x33: {  	p0 =	seq.s32 s10, $0x1;
	s10 =	sld [smem:$0x3FB8];
	_ =	sdelay $0x3  }
0x34: {  	[smem:$0x3FB8] =	sst s10  }
0x35: {  	s10 =	sld [smem:$0x3FB7];
	_ =	sdelay $0x3  }
0x36: {  	p1 =	seq.s32 s10, $0x1;
	s10 =	sld [smem:$0x3FB8];
	_ =	sdelay $0x3  }
0x37: {  	[smem:$0x3FB8] =	sst s10  }
0x38: {  	s10 =	sld [smem:$0x3FB9]  }
0x39: {  	_ = 	snop;
	(pc) =	sbr.ind lr, $3  }
0x3a: {  	_ = 	snop  }
0x3b: {  	_ = 	snop  }
0x3c: {  	p2 =	seq.s32 s10, $0x1;
	s10 =	sld [smem:$0x3FB8]  }
0x3d: {  	_ =	shalt  }
0x3e: {  	_ =	shalt  }
0x3f: {  	_ =	shalt  }
0x40: {  	_ =	shalt  }
0x41: {  	_ =	shalt  }
0x42: {  	_ =	shalt  }
0x43: {  	_ =	shalt  }
0x44: {  	_ =	shalt  }
0x45: {  	_ =	shalt  }
0x46: {  	_ =	shalt  }
0x47: {  	_ =	shalt  }
0x48: {  	_ =	shalt  }
0x49: {  	_ =	shalt  }
0x4a: {  	_ =	shalt  }
0x4b: {  	_ =	shalt  }
0x4c: {  	_ =	shalt  }
0x4d: {  	_ =	shalt  }
0x4e: {  	_ =	shalt  }
0x4f: {  	_ =	shalt  }
0x50: {  	_ =	shalt  }
0x51: {  	_ =	shalt  }
0x52: {  	_ =	shalt  }
0x53: {  	_ =	shalt  }
0x54: {  	_ =	shalt  }
0x55: {  	_ =	shalt  }
0x56: {  	_ =	shalt  }
0x57: {  	_ =	shalt  }
0x58: {  	_ =	shalt  }
0x59: {  	_ =	shalt  }
0x5a: {  	_ =	shalt  }
0x5b: {  	_ =	shalt  }
0x5c: {  	_ =	shalt  }
0x5d: {  	_ =	shalt  }
0x5e: {  	_ =	shalt  }
0x5f: {  	_ =	shalt  }
0x60: {  	_ =	shalt  }
0x61: {  	_ =	shalt  }
0x62: {  	_ =	shalt  }
0x63: {  	_ =	shalt  }
0x64: {  	_ =	shalt  }
0x65: {  	_ =	shalt  }
0x66: {  	_ =	shalt  }
0x67: {  	_ =	shalt  }
0x68: {  	_ =	shalt  }
0x69: {  	_ =	shalt  }
0x6a: {  	_ =	shalt  }
0x6b: {  	_ =	shalt  }
0x6c: {  	_ =	shalt  }
0x6d: {  	_ =	shalt  }
0x6e: {  	_ =	shalt  }
0x6f: {  	_ =	shalt  }
0x70: {  	_ =	shalt  }
0x71: {  	_ =	shalt  }
0x72: {  	_ =	shalt  }
0x73: {  	_ =	shalt  }
0x74: {  	_ =	shalt  }
0x75: {  	_ =	shalt  }
0x76: {  	_ =	shalt  }
0x77: {  	_ =	shalt  }
0x78: {  	_ =	shalt  }
0x79: {  	_ =	shalt  }
0x7a: {  	_ =	shalt  }
0x7b: {  	_ =	shalt  }
0x7c: {  	_ =	shalt  }
0x7d: {  	_ =	shalt  }
0x7e: {  	_ =	shalt  }
0x7f: {  	_ =	shalt  }
0x80: {  	_ =	shalt  }
0x81: {  	_ =	shalt  }
0x82: {  	_ =	shalt  }
0x83: {  	_ =	shalt  }
0x84: {  	_ =	shalt  }
0x85: {  	_ =	shalt  }
0x86: {  	_ =	shalt  }
0x87: {  	_ =	shalt  }
.Lfunc_end0:
.L_simem_size_0:
called_computation.1_lowered:
.L_overlay_start_0:
0x88: {  	s2 =	sld [smem:$0x3FD9]  }
0x89: {  	s3 =	sld [smem:$0x3FFE];
	_ =	sdelay $0x1  }
0x8a: {  	s1 =	srdreg.scid  }
0x8b: {  	s0 =	sand.u32 $0x1, s1  }
0x8c: {  	s16 =	sshll.u32 s0, $0xA;
	s2 =	sadd.s32 s3, s2  }
0x8d: {  	s2 =	sadd.s32 s2, s16  }
0x8e: {  	[smem:$0x3FC4] =	sst s2  }
0x8f: {  	_ = 	snop  }
0x90: {  	(tm) =	ssettm $0x1  }
0x91: {  	s17 =	sld [smem:$0x3FFB];
	_ =	sdelay $0x3  }
0x92: {  	_ =	strace s17  }
0x93: {  	s2 =	sld [smem:$0x3FFC];
	_ =	sdelay $0x3  }
0x94: {  	_ =	strace s2  }
0x95: {  	s2 =	sld [smem:$0x3FFD];
	_ =	sdelay $0x3  }
0x96: {  	_ =	strace s2  }
0x97: {  	_ =	strace $0x8FFFFFFF  }
0x98: {  	s18 =	sld [smem:$0x3FDB];
	_ =	sdelay $0x1  }
0x99: {  	s19 =	simm.s32 $_scs_section_size  }
0x9a: {  	s4 =	simm.s32 $_size__tile_overlayer_lowered;
	s5 =	simm.s32 $_tile_overlayer_lowered  }
0x9b: {  	s22 =	simm.s32 $0x1BFF;
	s21 =	sshll.u32 s5, $0x1;
	s2 =	sadd.s32 s19, s18  }
0x9c: {  	s6 =	simm.s32 $0x0;
	s20 =	sshll.u32 s4, $0x1;
	s4 =	sadd.s32 s21, s2  }
0x9d: {  	[timem:s6], [sflag:s22] =	dma.local [hbm:s4], s20  }
0x9e: {  	_ =	swait.ge [sflag:s22], s20  }
0x9f: {  	s3 =	ssub.s32 $0x0, s20;
	[sflag:s22] =	ssyncset.done $0x0  }
0xa0: {  	[sflag:s22] =	ssyncadd.s32 s3;
	_ =	sdelay $0x1  }
0xa1: {  	s23 =	simm.s32 $0x1B8B  }
0xa2: {  	_ =	swait.ge [sflag:s23], $0x1  }
0xa3: {  	[sflag:s23] =	ssyncset.done $0x0  }
0xa4: {  	s25 =	simm.s32 $0x1B8E;
	s24 =	sld [smem:$0x3FFE];
	[sflag:s23] =	ssyncadd.s32 $0xFFFFFFFF  }
0xa5: {  	s26 =	simm.s32 $execute0_lowered;
	[smem:$0x3FD2] =	sst s25  }
0xa6: {  	s4 =	sshll.u32 s26, $0x1;
	_ =	strace $0x80000049;
	[dreg:$0x1] =	wrdreg $0xFFFFFFFF  }
0xa7: {  	s28 =	simm.s32 $_size_execute0_lowered;
	s2 =	sadd.s32 s2, s4;
	[dreg:$0x0] =	wrdreg $0x0  }
0xa8: {  	s4 =	sshll.u32 s28, $0x1;
	[dreg:$0x2] =	wrdreg s2  }
0xa9: {  	[dreg:$0x3] =	wrdreg s4  }
0xaa: {  	[dreg:$0x4] =	wrdreg $0xC0  }
0xab: {  	_ =	task [dreg:s6], $0x5FFFF  }
0xac: {  	[dreg:$0x1] =	wrdreg $0xFFFFFFFF  }
0xad: {  	[dreg:$0x0] =	wrdreg $0x60  }
0xae: {  	[dreg:$0x2] =	wrdreg s24  }
0xaf: {  	[dreg:$0x3] =	wrdreg $0x0  }
0xb0: {  	[dreg:$0x4] =	wrdreg $0x9  }
0xb1: {  	_ =	task.clear_ibuf [dreg:s6], $0x5FFFF;
	_ =	strace $0x90000049  }
0xb2: {  	s29 =	simm.s32 $0x9;
	_ =	strace $0x8000004B  }
0xb3: {  	_ =	swait.ge [sflag:s29], $0x1  }
0xb4: {  	[sflag:s29] =	ssyncadd.s32 $0xFFFFFFFF  }
0xb5: {  	_ =	strace $0x9000004B  }
0xb6: {  	_ =	sfence  }
0xb7: {  	s30 =	sld [smem:$0x0];
	_ =	sdelay $0x2  }
0xb8: {  	s31 =	sshll.u32 s1, $0xD;
	s1 =	sshrl.u32 s1, $0x2  }
0xb9: {  	s3 =	sand.u32 $0x4000, s31;
	s1 =	sadd.s32 s1, s30  }
0xba: {  	s0 =	sor.u32 s3, s0;
	s1 =	sshll.u32 s1, $0x11  }
0xbb: {  	s0 =	sor.u32 s1, s0  }
0xbc: {  	s0 =	sadd.s32 $0x8F2B, s0  }
0xbd: {  	[sflag:s0] =	ssyncadd.remote.s32 $0x1  }
0xbe: {  	_ =	sfence.sel $0xFFFF  }
0xbf: {  	[dreg:$0x0] =	wrdreg $0xFFFFFFFF;
	(pc) =	sbr.abs _section_cstart, $3  }
0xc0: {  	[dreg:$0x1] =	wrdreg $0xFFFFFFFF  }
0xc1: {  	_ =	task.clear_ibuf [dreg:s6], $0x2FFFF;
	_ =	strace $0x9FFFFFFF  }
0xc2: {  	(tm) =	ssettm $0x7FFFFFFF  }
0xc3: {  	_ =	shalt  }
tec
execute0_lowered:
.L_overlay_start_1:
0x0: {  	(tag) =	ssettag $0x1  }
0x1: {  	s0 =	rddreg [dreg:$0x0]  }
0x2: {  	s1 =	rddreg [dreg:$0x1];
	s3 =	simm.s32 $0x0  }
0x3: {  	s2 =	srdreg.scid;
	s9 =	stileid.u32;
	s28 =	simm.s32 $0x14400  }
0x4: {  	s29 =	simm.s32 $0xC;
	s30 =	simm.s32 $0x4;
	s31 =	simm.s32 $0x7  }
0x5: {  	[smem:$0x7FF] =	sst s3;
	s2 =	sand.u32 $0x1, s2;
	s5 =	smul.u32 $0x14000, s9  }
0x6: {  	s7 =	sshrl.u32 s9, $0x3;
	s18 =	sshll.u32 s9, $0x7;
	s9 =	smul.u32 $0x50000, s9  }
0x7: {  	s10 =	sadd.s32 $0xC600, s0;
	s11 =	sadd.s32 $0x2600, s0;
	s4 =	smul.u32 $0x140000, s2  }
0x8: {  	s6 =	sadd.s32 $0x16600, s0;
	_ =	strace $0x8000004A;
	s8 =	smul.u32 $0x28000, s2  }
0x9: {  	s17 =	smul.u32 $0x14000, s7;
	s2 =	ssub.s32 $0x2, s2;
	[dreg:$0x3] =	wrdreg s11  }
0xa: {  	s19 =	sand.u32 $0x380, s18;
	[dreg:$0x18] =	wrdreg s10;
	s20 =	sshrl.u32 s2, $0x1  }
0xb: {  	s21 =	sshrl.u32 s9, $0x2;
	s4 =	sadd.s32 s5, s4;
	s5 =	sadd.s32 s8, s17  }
0xc: {  	s2 =	ssub.s32 s2, s20;
	s20 =	sadd.s32 s21, s1;
	s4 =	sshrl.u32 s4, $0x3  }
0xd: {  	s8 =	sor.u32 s19, s5;
	s14 =	smax.u32 s2, $0x1;
	[dreg:$0x4] =	wrdreg s20  }
0xe: {  	s7 =	sor.u32 s5, s18;
	s16 =	sadd.s32 $0x4000, s20;
	[dreg:$0xc] =	wrdreg s14  }
0xf: {  	s17 =	sadd.s32 $0x8000, s20;
	s18 =	sadd.s32 $0xC000, s20;
	[dreg:$0xd] =	wrdreg s16  }
0x10: {  	s0 =	sadd.s32 s4, s0;
	s22 =	sshrl.u32 s8, $0x3;
	[dreg:$0xe] =	wrdreg s17  }
0x11: {  	s13 =	sor.u32 $0xC00, s7;
	s15 =	sor.u32 $0x1800, s8;
	[dreg:$0xf] =	wrdreg s18  }
0x12: {  	s14 =	simm.s32 $0x9;
	s16 =	simm.s32 $0x14180;
	s17 =	simm.s32 $0x14380  }
0x13: {  	s18 =	simm.s32 $0xB;
	s23 =	sadd.s32 s10, s22;
	s24 =	sor.u32 $0x80, s22  }
0x14: {  	s12 =	sadd.s32 s11, s22;
	s9 =	sor.u32 $0x100, s22;
	[dreg:$0x5] =	wrdreg s23  }
0x15: {  	s0 =	sadd.s32 $0x3E600, s0;
	[dreg:$0x6] =	wrdreg s12;
	s25 =	sadd.s32 s10, s24  }
0x16: {  	s4 =	sadd.s32 s11, s24;
	s26 =	sadd.s32 s10, s9;
	[dreg:$0xb] =	wrdreg s0  }
0x17: {  	s12 =	sadd.s32 s11, s9;
	s0 =	sshrl.u32 s15, $0x3;
	[dreg:$0x7] =	wrdreg s25  }
0x18: {  	s23 =	sshrl.u32 s13, $0x3;
	s24 =	sor.u32 $0x1000, s8;
	[dreg:$0x8] =	wrdreg s4  }
0x19: {  	s8 =	simm.s32 $0x14100;
	s9 =	simm.s32 $0x14300;
	[dreg:$0x9] =	wrdreg s26  }
0x1a: {  	s13 =	simm.s32 $0x18400;
	s15 =	simm.s32 $0x5;
	[dreg:$0xa] =	wrdreg s12  }
0x1b: {  	s4 =	sor.u32 $0x1400, s7;
	s19 =	sadd.s32 s0, s11;
	[dreg:$0x14] =	wrdreg s24  }
0x1c: {  	s0 =	sadd.s32 s0, s10;
	s25 =	sadd.s32 s23, s11;
	[dreg:$0x10] =	wrdreg s19  }
0x1d: {  	s26 =	sadd.s32 $0x10000, s20;
	s12 =	simm.s32 $0x2;
	[dreg:$0x11] =	wrdreg s0  }
0x1e: {  	s7 =	simm.s32 $0x6;
	s21 =	sshrl.u32 s4, $0x3;
	[dreg:$0x15] =	wrdreg s25  }
0x1f: {  	s0 =	sadd.s32 s23, s10;
	[dreg:$0x17] =	wrdreg s26;
	s23 =	simm.s32 $0x3  }
.Ltmp0:
0x20: {  	s26 =	simm.s32 $0xA;
	s4 =	simm.s32 $0x8;
	(pc) =	sbr.rel .LBB2_1-.Ltmp0, $4  }
0x21: {  	s19 =	simm.s32 $0x0;
	s25 =	simm.s32 $0x14000;
	s22 =	sadd.s32 s21, s11  }
0x22: {  	s2 =	sadd.s32 s21, s10;
	[dreg:$0x16] =	wrdreg s0;
	s21 =	simm.s32 $0xD  }
0x23: {  	s0 =	simm.s32 $0x14080;
	s10 =	simm.s32 $0x1;
	[dreg:$0x12] =	wrdreg s22  }
0x24: {  	v0 =	vimm.f32 $0.0e+00;
	s11 =	simm.s32 $0x80;
	[dreg:$0x13] =	wrdreg s2;
	s2 =	simm.s32 $0x14280  }
.LBB2_6:
0x25: {  	_ =	swait.ge [sflag:s26], $0x4000  }
0x26: {  	[sflag:s26] =	ssyncset.done $0x0  }
0x27: {  	[sflag:s26] =	ssyncadd.s32 $0xFFFFC000  }
0x28: {  	_ =	swait.ge [sflag:s4], $0x80  }
0x29: {  	[sflag:s4] =	ssyncset.done $0x0  }
0x2a: {  	[sflag:s4] =	ssyncadd.s32 $0xFFFFFF80  }
0x2b: {  	[spmem:s1] =	stream.indirect.scatter.add.f32 [tilespmem:s13], [sflag:$0xC], $0x80, s17, s11, $0xb8;
	[tilespmem:$0x1C400] =	vst v63  }
0x2c: {  	_ =	swait.ge [sflag:s18], $0x4000  }
0x2d: {  	[sflag:s18] =	ssyncset.done $0x0  }
0x2e: {  	[sflag:s18] =	ssyncadd.s32 $0xFFFFC000  }
0x2f: {  	_ =	swait.ge [sflag:s29], $0x4000  }
0x30: {  	[sflag:s29] =	ssyncset.done $0x0  }
0x31: {  	[sflag:s29] =	ssyncadd.s32 $0xFFFFC000  }
0x32: {  	s5 =	stileid.u32;
	[bflag:$0x0] =	sbarrier.arrive $0xFFFF  }
0x33: {  	s5 =	sshll.u32 s5, $0x6;
	s20 =	rddreg [dreg:$0x4]  }
0x34: {  	s5 =	sor.u32 $0x1C0D, s5;
	s21 =	rddreg [dreg:$0xb];
	s19 =	sshrl.u32 s20, $0x3  }
0x35: {  	[hbm:s21], [sflag:s5] =	dma.local [spmem:s19], $0x2800  }
0x36: {  	s21 =	simm.s32 $0xD  }
0x37: {  	_ =	swait.ge [sflag:s21], $0x2800  }
0x38: {  	s22 =	rddreg [dreg:$0x19]  }
0x39: {  	s24 =	rddreg [dreg:$0xc];
	s19 =	sadd.s32 $0x1, s22  }
0x3a: {  	p0 =	sne.s32 s19, s24  }
.Ltmp1:
0x3b: {  	_ = 	snop;
	(pc) =	sbr.rel @!p0 .LBB2_7-.Ltmp1, $3  }
0x3c: {  	_ =	sdelay $0x1  }
0x3d: {  	[sflag:s21] =	ssyncset.done $0x0  }
0x3e: {  	[sflag:s21] =	ssyncadd.s32 $0xFFFFD800  }
.LBB2_1:
0x3f: {  	[dreg:$0x19] =	wrdreg s19;
	s5 =	simm.s32 $0x0;
	s19 =	simm.s32 $0x200  }
.LBB2_2:
0x40: {  	p0 =	sne.s32 s19, $0xFE00;
	[tilespmem:s5+$0x14470] =	vst v0  }
0x41: {  	[tilespmem:s5+$0x14400] =	vst v0  }
0x42: {  	[tilespmem:s5+$0x14410] =	vst v0  }
.Ltmp2:
0x43: {  	[tilespmem:s5+$0x14420] =	vst v0;
	(pc) =	sbr.rel @p0 .LBB2_2-.Ltmp2, $4  }
0x44: {  	[tilespmem:s5+$0x14430] =	vst v0  }
0x45: {  	[tilespmem:s5+$0x14440] =	vst v0  }
0x46: {  	[tilespmem:s5+$0x14450] =	vst v0  }
0x47: {  	[tilespmem:s5+$0x14460] =	vst v0;
	s5 =	sshra.s32 s19, $0x2;
	s19 =	sadd.s32 $0x200, s19  }
0x48: {  	[tilespmem:s5+$0x14470] =	vst v0  }
0x49: {  	[tilespmem:s5+$0x14400] =	vst v0  }
0x4a: {  	[tilespmem:s5+$0x14410] =	vst v0  }
0x4b: {  	[tilespmem:s5+$0x14420] =	vst v0  }
0x4c: {  	[tilespmem:s5+$0x14430] =	vst v0  }
0x4d: {  	[tilespmem:s5+$0x14440] =	vst v0  }
0x4e: {  	[tilespmem:s5+$0x14450] =	vst v0  }
0x4f: {  	[tilespmem:s5+$0x14460] =	vst v0  }
0x50: {  	[spmem:s20] =	stream.linear.scatter [tilespmem:s28], [sflag:$0xD], $0x4000, $0x38;
	[tilespmem:$0x1C400] =	vst v63  }
0x51: {  	_ =	swait.ge [sflag:s21], $0x4000  }
0x52: {  	[sflag:s21] =	ssyncset.done $0x0  }
0x53: {  	s22 =	rddreg [dreg:$0xd];
	[sflag:s21] =	ssyncadd.s32 $0xFFFFC000  }
0x54: {  	[spmem:s22] =	stream.linear.scatter [tilespmem:s28], [sflag:$0xD], $0x4000, $0x38;
	[tilespmem:$0x1C400] =	vst v63  }
0x55: {  	_ =	swait.ge [sflag:s21], $0x4000  }
0x56: {  	[sflag:s21] =	ssyncset.done $0x0  }
0x57: {  	s24 =	rddreg [dreg:$0xe];
	[sflag:s21] =	ssyncadd.s32 $0xFFFFC000  }
0x58: {  	[spmem:s24] =	stream.linear.scatter [tilespmem:s28], [sflag:$0xD], $0x4000, $0x38;
	[tilespmem:$0x1C400] =	vst v63  }
0x59: {  	_ =	swait.ge [sflag:s21], $0x4000  }
0x5a: {  	[sflag:s21] =	ssyncset.done $0x0  }
0x5b: {  	s19 =	rddreg [dreg:$0xf];
	[sflag:s21] =	ssyncadd.s32 $0xFFFFC000  }
0x5c: {  	[spmem:s19] =	stream.linear.scatter [tilespmem:s28], [sflag:$0xD], $0x4000, $0x38;
	[tilespmem:$0x1C400] =	vst v63  }
0x5d: {  	_ =	swait.ge [sflag:s21], $0x4000  }
0x5e: {  	[sflag:s21] =	ssyncset.done $0x0  }
0x5f: {  	s20 =	rddreg [dreg:$0x17];
	[sflag:s21] =	ssyncadd.s32 $0xFFFFC000  }
0x60: {  	[spmem:s20] =	stream.linear.scatter [tilespmem:s28], [sflag:$0xD], $0x4000, $0x38;
	[tilespmem:$0x1C400] =	vst v63  }
0x61: {  	_ =	swait.ge [sflag:s21], $0x4000  }
0x62: {  	[sflag:s21] =	ssyncset.done $0x0  }
0x63: {  	[sflag:s21] =	ssyncadd.s32 $0xFFFFC000  }
0x64: {  	[bflag:$0x0] =	sbarrier.arrive $0xFFFF  }
0x65: {  	s5 =	simm.s32 $0x0;
	s20 =	simm.s32 $0x14000;
	s19 =	rddreg [dreg:$0x5]  }
0x66: {  	[tilespmem:s20], [sflag:$0x1] =	stream.linear.gather [hbm4b:s19+s5], $0x80, $0x38;
	[tilespmem:$0x1C400] =	vst v63  }
0x67: {  	s22 =	simm.s32 $0x14200;
	s21 =	rddreg [dreg:$0x6]  }
0x68: {  	[tilespmem:s22], [sflag:$0x5] =	stream.linear.gather [hbm4b:s21+s5], $0x80, $0x38;
	[tilespmem:$0x1C400] =	vst v63  }
0x69: {  	s24 =	rddreg [dreg:$0x7]  }
0x6a: {  	[tilespmem:s0], [sflag:$0x2] =	stream.linear.gather [hbm4b:s24+s5], $0x80, $0x38;
	[tilespmem:$0x1C400] =	vst v63  }
0x6b: {  	s21 =	rddreg [dreg:$0x8]  }
0x6c: {  	[tilespmem:s2], [sflag:$0x6] =	stream.linear.gather [hbm4b:s21+s5], $0x80, $0x38;
	[tilespmem:$0x1C400] =	vst v63  }
0x6d: {  	s22 =	rddreg [dreg:$0x9]  }
0x6e: {  	[tilespmem:s8], [sflag:$0x3] =	stream.linear.gather [hbm4b:s22+s5], $0x80, $0x38;
	[tilespmem:$0x1C400] =	vst v63  }
0x6f: {  	s24 =	rddreg [dreg:$0xa]  }
0x70: {  	[tilespmem:s9], [sflag:$0x7] =	stream.linear.gather [hbm4b:s24+s5], $0x80, $0x38;
	[tilespmem:$0x1C400] =	vst v63  }
0x71: {  	_ =	swait.ge [sflag:s10], $0x80  }
0x72: {  	[sflag:s10] =	ssyncset.done $0x0  }
0x73: {  	s19 =	rddreg [dreg:$0x14];
	[sflag:s10] =	ssyncadd.s32 $0xFFFFFF80  }
0x74: {  	[tilespmem:s28], [sflag:$0x9] =	stream.indirect.gather [hbm4b:s6+s11], $0x80, s20, s11, $0xb8;
	[tilespmem:$0x1C400] =	vst v63  }
.LBB2_4:
0x75: {  	p0 =	seq.s32 s5, $0x0  }
0x76: {  	s20 =	simm.s32 @!p0 $0xC  }
0x77: {  	_ =	swait.ge @!p0 [sflag:s20], $0x4000  }
0x78: {  	[sflag:s20] =	ssyncset.done @!p0 $0x0  }
0x79: {  	[sflag:s20] =	ssyncadd.s32 @!p0 $0xFFFFC000  }
0x7a: {  	_ =	swait.ge [sflag:s12], $0x80  }
0x7b: {  	[sflag:s12] =	ssyncset.done $0x0  }
0x7c: {  	[sflag:s12] =	ssyncadd.s32 $0xFFFFFF80  }
0x7d: {  	[tilespmem:s13], [sflag:$0xA] =	stream.indirect.gather [hbm4b:s6+s11], $0x80, s0, s11, $0xb8;
	[tilespmem:$0x1C400] =	vst v63  }
0x7e: {  	_ =	swait.ge [sflag:s14], $0x4000  }
0x7f: {  	[sflag:s14] =	ssyncset.done $0x0  }
0x80: {  	[sflag:s14] =	ssyncadd.s32 $0xFFFFC000  }
0x81: {  	_ =	swait.ge [sflag:s15], $0x80  }
0x82: {  	[sflag:s15] =	ssyncset.done $0x0  }
0x83: {  	s21 =	simm.s32 $0x14200;
	s22 =	rddreg [dreg:$0x16];
	[sflag:s15] =	ssyncadd.s32 $0xFFFFFF80  }
0x84: {  	[spmem:s1] =	stream.indirect.scatter.add.f32 [tilespmem:s28], [sflag:$0xB], $0x80, s21, s11, $0xb8;
	[tilespmem:$0x1C400] =	vst v63  }
0x85: {  	s24 =	rddreg [dreg:$0x15];
	s20 =	sadd.s32 s5, s22  }
0x86: {  	[tilespmem:s16], [sflag:$0x4] =	stream.linear.gather [hbm4b:s20+s3], $0x80, $0x38;
	[tilespmem:$0x1C400] =	vst v63  }
0x87: {  	s20 =	sadd.s32 s5, s24  }
0x88: {  	[tilespmem:s17], [sflag:$0x8] =	stream.linear.gather [hbm4b:s20+s3], $0x80, $0x38;
	[tilespmem:$0x1C400] =	vst v63  }
0x89: {  	_ =	swait.ge [sflag:s18], $0x4000  }
0x8a: {  	[sflag:s18] =	ssyncset.done $0x0  }
0x8b: {  	[sflag:s18] =	ssyncadd.s32 $0xFFFFC000  }
0x8c: {  	_ =	swait.ge [sflag:s23], $0x80  }
0x8d: {  	[sflag:s23] =	ssyncset.done $0x0  }
0x8e: {  	[sflag:s23] =	ssyncadd.s32 $0xFFFFFF80  }
0x8f: {  	[tilespmem:s28], [sflag:$0x9] =	stream.indirect.gather [hbm4b:s6+s11], $0x80, s8, s11, $0xb8;
	[tilespmem:$0x1C400] =	vst v63  }
0x90: {  	_ =	swait.ge [sflag:s26], $0x4000  }
0x91: {  	[sflag:s26] =	ssyncset.done $0x0  }
0x92: {  	[sflag:s26] =	ssyncadd.s32 $0xFFFFC000  }
0x93: {  	_ =	swait.ge [sflag:s7], $0x80  }
0x94: {  	p0 =	seq.s32 s5, $0x2600;
	[sflag:s7] =	ssyncset.done $0x0  }
0x95: {  	s20 =	sshrl.u32 @!p0 s19, $0x3;
	s21 =	rddreg [dreg:$0x18];
	[sflag:s7] =	ssyncadd.s32 $0xFFFFFF80  }
0x96: {  	[spmem:s1] =	stream.indirect.scatter.add.f32 [tilespmem:s13], [sflag:$0xC], $0x80, s2, s11, $0xb8;
	[tilespmem:$0x1C400] =	vst v63  }
0x97: {  	s22 =	simm.s32 @!p0 $0x0;
	s24 =	simm.s32 @!p0 $0x14000;
	s21 =	sadd.s32 @!p0 s21, s20  }
0x98: {  	[tilespmem:s24], [sflag:$0x1] =	stream.linear.gather @!p0 [hbm4b:s21+s22], $0x80, $0x38;
	[tilespmem:$0x1C400] =	vst v63  }
0x99: {  	s21 =	rddreg [dreg:$0x3]  }
0x9a: {  	s20 =	sadd.s32 @!p0 s21, s20;
	s21 =	simm.s32 @!p0 $0x14200  }
0x9b: {  	[tilespmem:s21], [sflag:$0x5] =	stream.linear.gather @!p0 [hbm4b:s20+s22], $0x80, $0x38;
	[tilespmem:$0x1C400] =	vst v63  }
0x9c: {  	_ =	swait.ge [sflag:s29], $0x4000  }
0x9d: {  	[sflag:s29] =	ssyncset.done $0x0  }
0x9e: {  	[sflag:s29] =	ssyncadd.s32 $0xFFFFC000  }
0x9f: {  	_ =	swait.ge [sflag:s30], $0x80  }
0xa0: {  	[sflag:s30] =	ssyncset.done $0x0  }
0xa1: {  	[sflag:s30] =	ssyncadd.s32 $0xFFFFFF80  }
0xa2: {  	[tilespmem:s13], [sflag:$0xA] =	stream.indirect.gather [hbm4b:s6+s11], $0x80, s16, s11, $0xb8;
	[tilespmem:$0x1C400] =	vst v63  }
0xa3: {  	_ =	swait.ge [sflag:s14], $0x4000  }
0xa4: {  	[sflag:s14] =	ssyncset.done $0x0  }
.Ltmp3:
0xa5: {  	[sflag:s14] =	ssyncadd.s32 $0xFFFFC000;
	(pc) =	sbr.rel @p0 .LBB2_6-.Ltmp3, $4  }
0xa6: {  	_ =	swait.ge [sflag:s31], $0x80  }
0xa7: {  	[sflag:s31] =	ssyncset.done $0x0  }
0xa8: {  	[sflag:s31] =	ssyncadd.s32 $0xFFFFFF80  }
0xa9: {  	[spmem:s1] =	stream.indirect.scatter.add.f32 [tilespmem:s28], [sflag:$0xB], $0x80, s9, s11, $0xb8;
	[tilespmem:$0x1C400] =	vst v63  }
0xaa: {  	s20 =	rddreg [dreg:$0x13]  }
0xab: {  	s21 =	rddreg [dreg:$0x12];
	s20 =	sadd.s32 s5, s20  }
0xac: {  	[tilespmem:s0], [sflag:$0x2] =	stream.linear.gather [hbm4b:s20+s3], $0x80, $0x38;
	[tilespmem:$0x1C400] =	vst v63  }
0xad: {  	s20 =	sadd.s32 s5, s21  }
0xae: {  	[tilespmem:s2], [sflag:$0x6] =	stream.linear.gather [hbm4b:s20+s3], $0x80, $0x38;
	[tilespmem:$0x1C400] =	vst v63  }
0xaf: {  	_ =	swait.ge [sflag:s18], $0x4000  }
0xb0: {  	[sflag:s18] =	ssyncset.done $0x0  }
0xb1: {  	[sflag:s18] =	ssyncadd.s32 $0xFFFFC000  }
0xb2: {  	_ =	swait.ge [sflag:s10], $0x80  }
0xb3: {  	[sflag:s10] =	ssyncset.done $0x0  }
0xb4: {  	[sflag:s10] =	ssyncadd.s32 $0xFFFFFF80  }
0xb5: {  	[tilespmem:s28], [sflag:$0x9] =	stream.indirect.gather [hbm4b:s6+s11], $0x80, s25, s11, $0xb8;
	[tilespmem:$0x1C400] =	vst v63  }
0xb6: {  	_ =	swait.ge [sflag:s26], $0x4000  }
0xb7: {  	[sflag:s26] =	ssyncset.done $0x0  }
0xb8: {  	[sflag:s26] =	ssyncadd.s32 $0xFFFFC000  }
0xb9: {  	_ =	swait.ge [sflag:s4], $0x80  }
0xba: {  	[sflag:s4] =	ssyncset.done $0x0  }
0xbb: {  	[sflag:s4] =	ssyncadd.s32 $0xFFFFFF80  }
0xbc: {  	[spmem:s1] =	stream.indirect.scatter.add.f32 [tilespmem:s13], [sflag:$0xC], $0x80, s17, s11, $0xb8;
	[tilespmem:$0x1C400] =	vst v63  }
.Ltmp4:
0xbd: {  	s22 =	rddreg [dreg:$0x11];
	(pc) =	sbr.rel .LBB2_4-.Ltmp4, $4  }
0xbe: {  	s24 =	rddreg [dreg:$0x10];
	s20 =	sadd.s32 s5, s22  }
0xbf: {  	[tilespmem:s8], [sflag:$0x3] =	stream.linear.gather [hbm4b:s20+s3], $0x80, $0x38;
	[tilespmem:$0x1C400] =	vst v63  }
0xc0: {  	s19 =	sadd.s32 $0x1000, s19;
	s20 =	sadd.s32 s5, s24;
	s5 =	sadd.s32 $0x200, s5  }
0xc1: {  	[tilespmem:s9], [sflag:$0x7] =	stream.linear.gather [hbm4b:s20+s3], $0x80, $0x38;
	[tilespmem:$0x1C400] =	vst v63  }
.LBB2_7:
0xc2: {  	_ =	sfence.sel $0x180000  }
0xc3: {  	[bflag:$0x0] =	sbarrier.arrive $0xFFFF  }
0xc4: {  	_ =	strace $0x9000004A  }
0xc5: {  	s0 =	stileid.u32;
	[bflag:$0x2] =	sbarrier.arrive $0xFFFF  }
0xc6: {  	p0 =	sne.s32 s0, $0x0;
	s0 =	rddreg [dreg:$0x2]  }
0xc7: {  	s0 =	sadd.s32 @!p0 $0x100000, s0  }
0xc8: {  	[sflag:s0] =	ssyncadd.tile.s32 @!p0 $0x1;
	_ =	shalt  }
.Lfunc_end2:
_tile_overlayer_lowered:
.L_overlay_start_2:
0xc9: {  	(tag) =	ssettag $0x2  }
0xca: {  	s0 =	rddreg [dreg:$0x0];
	s2 =	stileid.u32  }
0xcb: {  	s1 =	rddreg [dreg:$0x1];
	p0 =	sne.s32 s2, $0x0  }
0xcc: {  	s3 =	rddreg [dreg:$0x2];
	[bflag:$0x3] =	sbarrier.arrive $0xFFFF;
	s2 =	simm.s32 @!p0 $0x1C0D  }
0xcd: {  	[timem:s3], [sflag:s2] =	dma.local @!p0 [hbm:s0], s1  }
0xce: {  	s0 =	simm.s32 @!p0 $0xD  }
0xcf: {  	_ =	swait.ge @!p0 [sflag:s0], s1  }
0xd0: {  	s1 =	ssub.s32 @!p0 $0x0, s1;
	[sflag:s0] =	ssyncset.done @!p0 $0x0  }
0xd1: {  	[sflag:s0] =	ssyncadd.s32 @!p0 s1  }
0xd2: {  	[bflag:$0x3] =	sbarrier.arrive $0xFFFF  }
0xd3: {  	_ =	shalt  }

</sc_bundles>
